<compile_context>
chip_gen: v7x
topology: tpu7x:2x2x1
jax: 0.10.2.dev20260603
libtpu: 0.0.44.dev20260713+nightly
codegen_flags: <defaults>
</compile_context>

<pallas_src>
import functools

import jax
import jax.numpy as jnp
from jax import lax
from jax.experimental import pallas as pl
from jax.experimental.pallas import tpu as pltpu
from jax.experimental.pallas import tpu_sc as plsc

B = 2
N = 8192
S = 2048
K = 16
D = 64
OUT = 64
LEAKY = 0.1

_I32_MAX = 2147483647


def _leaky(x):
    return jnp.where(x >= 0, x, LEAKY * x)




def _fps_body(xyz_ref, idx_ref, nxyz_ref):
    x = xyz_ref[:, 0]
    y = xyz_ref[:, 1]
    z = xyz_ref[:, 2]
    lin = jnp.broadcast_to(
        (lax.broadcasted_iota(jnp.int32, (64, 128), 0) * 128
         + lax.broadcasted_iota(jnp.int32, (64, 128), 1))[None],
        (B, 64, 128))
    lin2 = (lax.broadcasted_iota(jnp.int32, (16, 128), 0) * 128
            + lax.broadcasted_iota(jnp.int32, (16, 128), 1))[None]

    def amax5(v, i, a0, a1, a2):
        vals = [v, i, a0, a1, a2]
        for h in (32, 16, 8):
            va, vb = vals[0][:, :h], vals[0][:, h:]
            c = va >= vb
            vals = [jnp.where(c, t[:, :h], t[:, h:]) for t in vals]
        v8, i8, x8, y8, z8 = vals

        def red2(a, op):
            return op(op(a, axis=2, keepdims=True), axis=1, keepdims=True)

        m = red2(v8, jnp.max)
        cand = jnp.where(v8 == m, i8, _I32_MAX)
        far = red2(cand, jnp.min)
        em = i8 == far
        cx = red2(jnp.where(em, x8, 0.0), jnp.sum)
        cy = red2(jnp.where(em, y8, 0.0), jnp.sum)
        cz = red2(jnp.where(em, z8, 0.0), jnp.sum)
        return m, far, cx, cy, cz

    def body(it, carry):
        far, cx, cy, cz, dist = carry
        m2 = lin2 == it
        idx_ref[...] = jnp.where(m2, far, idx_ref[...])
        nxyz_ref[:, 0] = jnp.where(m2, cx, nxyz_ref[:, 0])
        nxyz_ref[:, 1] = jnp.where(m2, cy, nxyz_ref[:, 1])
        nxyz_ref[:, 2] = jnp.where(m2, cz, nxyz_ref[:, 2])
        dx = x - cx
        dy = y - cy
        dz = z - cz
        d = dx * dx + dy * dy
        d = d + dz * dz
        dist = jnp.minimum(dist, d)
        _, far_new, ncx, ncy, ncz = amax5(dist, lin, x, y, z)
        return far_new, ncx, ncy, ncz, dist

    far0 = jnp.zeros((B, 1, 1), jnp.int32)
    cx0 = x[:, 0:1, 0:1]
    cy0 = y[:, 0:1, 0:1]
    cz0 = z[:, 0:1, 0:1]
    dist0 = jnp.full((B, 64, 128), 1e10, jnp.float32)
    lax.fori_loop(0, S, body, (far0, cx0, cy0, cz0, dist0))


def _fps_call(xyz):
    xyzr = xyz.reshape(B, 3, 64, 128)
    idx, nxyz = pl.pallas_call(
        _fps_body,
        out_shape=[
            jax.ShapeDtypeStruct((B, 16, 128), jnp.int32),
            jax.ShapeDtypeStruct((B, 3, 16, 128), jnp.float32),
        ],
    )(xyzr)
    return idx.reshape(B, S), nxyz.reshape(B, 3, S)




_CPAD = 128


def _proj_body(xyz_ref, pts_ref, w3_ref, wp_ref, out_ref):
    xb = xyz_ref[0]
    pb = pts_ref[0]
    pt = (lax.dot_general(w3_ref[...], xb, (((1,), (0,)), ((), ())),
                          preferred_element_type=jnp.float32)
          + lax.dot_general(wp_ref[...], pb, (((1,), (0,)), ((), ())),
                            preferred_element_type=jnp.float32))
    out_ref[...] = lax.transpose(pt, (1, 0))


def _proj_call(xyz, points, W3pad, Wppad):
    return pl.pallas_call(
        _proj_body,
        grid=(B,),
        in_specs=[
            pl.BlockSpec((1, 3, N), lambda b: (b, 0, 0)),
            pl.BlockSpec((1, D, N), lambda b: (b, 0, 0)),
            pl.BlockSpec((_CPAD, 3), lambda b: (0, 0)),
            pl.BlockSpec((_CPAD, D), lambda b: (0, 0)),
        ],
        out_specs=pl.BlockSpec((N, _CPAD), lambda b: (b, 0)),
        out_shape=jax.ShapeDtypeStruct((B * N, _CPAD), jnp.float32),
    )(xyz, points, W3pad, Wppad)



_S_TILE = 128


def _knn_body(nq_ref, xyz_ref, out_ref):
    q = nq_ref[0]
    xb = xyz_ref[0]
    d = -2.0 * lax.dot_general(q, xb, (((0,), (0,)), ((), ())),
                               preferred_element_type=jnp.float32)
    qn = lax.dot_general(q * q, jnp.ones((3, 1), jnp.float32),
                         (((0,), (0,)), ((), ())),
                         preferred_element_type=jnp.float32)
    d = d + qn
    xn = jnp.sum(xb * xb, axis=0, keepdims=True)
    d = d + xn
    lane = lax.broadcasted_iota(jnp.int32, (_S_TILE, N), 1)
    kio = lax.broadcasted_iota(jnp.int32, (_S_TILE, K), 1)
    acc = jnp.zeros((_S_TILE, K), jnp.int32)
    for k in range(K):
        mv = jnp.min(d, axis=1, keepdims=True)
        cand = jnp.where(d == mv, lane, _I32_MAX)
        ik = jnp.min(cand, axis=1, keepdims=True)
        acc = jnp.where(kio == k, ik, acc)
        d = jnp.where(lane == ik, float("inf"), d)
    b = pl.program_id(0)
    out_ref[0] = acc + b * N


def _knn_call(new_xyz, xyz):
    return pl.pallas_call(
        _knn_body,
        grid=(B, S // _S_TILE),
        in_specs=[
            pl.BlockSpec((1, 3, _S_TILE), lambda b, j: (b, 0, j)),
            pl.BlockSpec((1, 3, N), lambda b, j: (b, 0, 0)),
        ],
        out_specs=pl.BlockSpec((1, _S_TILE, K), lambda b, j: (b, j, 0)),
        out_shape=jax.ShapeDtypeStruct((B, S, K), jnp.int32),
    )(new_xyz, xyz)



_NROWS = B * S * K
_CHUNK = 128


def _sc_gather(proj, idx2d):
    info = plsc.get_sparse_core_info()
    nw = info.num_cores * info.num_subcores
    rows_per_w = _NROWS // nw
    nchunk = rows_per_w // _CHUNK
    mesh = plsc.VectorSubcoreMesh(core_axis_name="c", subcore_axis_name="s")

    @functools.partial(
        pl.kernel,
        mesh=mesh,
        out_type=jax.ShapeDtypeStruct((_NROWS, _CPAD), jnp.float32),
        scratch_types=[
            pltpu.VMEM((nchunk, _CHUNK), jnp.int32),
            pltpu.VMEM((_CHUNK, _CPAD), jnp.float32),
            pltpu.VMEM((_CHUNK, _CPAD), jnp.float32),
            pltpu.SemaphoreType.DMA,
            pltpu.SemaphoreType.DMA,
        ],
    )
    def gk(table_hbm, idx_hbm, out_hbm, idx_v, buf0, buf1, sem0, sem1):
        wid = lax.axis_index("s") * info.num_cores + lax.axis_index("c")
        pltpu.sync_copy(idx_hbm.at[pl.ds(wid * nchunk, nchunk)], idx_v)
        bufs = (buf0, buf1)
        sems = (sem0, sem1)
        cps = [pltpu.async_copy(table_hbm.at[idx_v.at[0]], buf0, sem0)]
        for j in range(nchunk):
            cps[j].wait()
            if j + 1 < nchunk:
                cps.append(pltpu.async_copy(table_hbm.at[idx_v.at[j + 1]],
                                            bufs[(j + 1) % 2], sems[(j + 1) % 2]))
            pltpu.sync_copy(bufs[j % 2],
                            out_hbm.at[pl.ds(wid * rows_per_w + j * _CHUNK, _CHUNK)])

    return gk(proj, idx2d)



_T_TILE = 512


def _tail_body(g_ref, nq_ref, w3_ref, wcc_ref, wcp_ref, wpc_ref, wpp_ref,
               wwp_ref, wwc_ref, out_ref):
    def dg(a, b_):
        return lax.dot_general(a, b_, (((1,), (1,)), ((), ())),
                               preferred_element_type=jnp.float32)

    g = g_ref[...]
    nq = nq_ref[0]
    pq = lax.dot_general(nq, w3_ref[...], (((0,), (1,)), ((), ())),
                         preferred_element_type=jnp.float32)
    x = _leaky(g - pq[:, None, :])
    ca = jnp.sum(x, axis=1) * (1.0 / K)
    pa = jnp.sum(x, axis=2) * (1.0 / OUT)
    ac = _leaky(dg(ca, wcc_ref[...]) + dg(pa, wcp_ref[...]))
    ap = _leaky(dg(ca, wpc_ref[...]) + dg(pa, wpp_ref[...]))
    wp = 1.0 / (1.0 + jnp.exp(-dg(ap, wwp_ref[...])))
    wc = 1.0 / (1.0 + jnp.exp(-dg(ac, wwc_ref[...])))
    s1 = jnp.sum(x * wp[:, :, None], axis=1)
    s1t = lax.transpose(s1, (1, 0))[:OUT]
    wct = lax.transpose(wc, (1, 0))
    out_ref[0] = s1t * wct * (1.0 / K)


def _tail_call(grouped, new_xyz, W3pad, Wcc, Wcp, Wpc, Wpp, W_wp, W_wc):
    nt = (B * S) // _T_TILE
    per_b = S // _T_TILE
    return pl.pallas_call(
        _tail_body,
        grid=(nt,),
        in_specs=[
            pl.BlockSpec((_T_TILE, K, _CPAD), lambda i: (i, 0, 0)),
            pl.BlockSpec((1, 3, _T_TILE), lambda i: (i // per_b, 0, i % per_b)),
            pl.BlockSpec((_CPAD, 3), lambda i: (0, 0)),
            pl.BlockSpec((OUT, _CPAD), lambda i: (0, 0)),
            pl.BlockSpec((OUT, K), lambda i: (0, 0)),
            pl.BlockSpec((K, _CPAD), lambda i: (0, 0)),
            pl.BlockSpec((K, K), lambda i: (0, 0)),
            pl.BlockSpec((K, K), lambda i: (0, 0)),
            pl.BlockSpec((OUT, OUT), lambda i: (0, 0)),
        ],
        out_specs=pl.BlockSpec((1, OUT, _T_TILE),
                               lambda i: (i // per_b, 0, i % per_b)),
        out_shape=jax.ShapeDtypeStruct((B, OUT, S), jnp.float32),
    )(grouped, new_xyz, W3pad, Wcc, Wcp, Wpc, Wpp, W_wp, W_wc)




def kernel(xyz, points, W_kernel, W_linear, W_wp, W_wc):
    pad = ((0, _CPAD - OUT), (0, 0))
    W3pad = jnp.pad(W_kernel[:, :3], pad)
    Wppad = jnp.pad(W_kernel[:, 3:], pad)
    Wcc = jnp.pad(W_linear[:OUT, :OUT], ((0, 0), (0, _CPAD - OUT)))
    Wcp = W_linear[:OUT, OUT:]
    Wpc = jnp.pad(W_linear[OUT:, :OUT], ((0, 0), (0, _CPAD - OUT)))
    Wpp = W_linear[OUT:, OUT:]

    fps_idx, new_xyz = _fps_call(xyz)
    proj = _proj_call(xyz, points, W3pad, Wppad)
    knn_gidx = _knn_call(new_xyz, xyz)
    grouped = _sc_gather(proj, knn_gidx.reshape(_NROWS // _CHUNK, _CHUNK))
    out = _tail_call(grouped.reshape(B * S, K, _CPAD), new_xyz,
                     W3pad, Wcc, Wcp, Wpc, Wpp, W_wp, W_wc)
    return (new_xyz, out, fps_idx)

# --- scband reference (transcript-rebuilt; emitter-appended) ---
"""Pipeline reference for scband-point-conv-w-51170240364927 (READ-ONLY COPY).

The authoritative reference and input builder live on the scoring server;
editing this copy changes nothing except your own understanding.
"""

import jax, jax.numpy as jnp
import numpy as np

NPOINT = 2048
NSAMPLE = 16
IN_CH = 67
OUT_CH = 64
LEAKY = 0.1

def leaky_relu(x):
    return jnp.where(x >= 0, x, LEAKY * x)

def farthest_point_sample(xyz, npoint):
    # xyz: [B, N, 3] -> idx [B, npoint] (matches pointnet2 FPS, start at index 0)
    B, N, _ = xyz.shape
    def body(i, state):
        dist, farthest, idxs = state
        idxs = idxs.at[:, i].set(farthest)
        centroid = jnp.take_along_axis(xyz, farthest[:, None, None], axis=1)  # [B,1,3]
        d = jnp.sum((xyz - centroid) ** 2, axis=-1)  # [B,N]
        dist = jnp.minimum(dist, d)
        farthest = jnp.argmax(dist, axis=-1).astype(jnp.int32)
        return (dist, farthest, idxs)
    dist0 = jnp.full((B, N), 1e10, dtype=xyz.dtype)
    far0 = jnp.zeros((B,), dtype=jnp.int32)
    idxs0 = jnp.zeros((B, npoint), dtype=jnp.int32)
    _, _, idxs = jax.lax.fori_loop(0, npoint, body, (dist0, far0, idxs0))
    return idxs

def square_distance(src, dst):
    dist = -2.0 * jnp.matmul(src, dst.transpose(0, 2, 1))
    dist = dist + jnp.sum(src ** 2, -1)[:, :, None]
    dist = dist + jnp.sum(dst ** 2, -1)[:, None, :]
    return dist

def knn_point(nsample, xyz, new_xyz):
    sqr = square_distance(new_xyz, xyz)  # [B,S,N]
    _, idx = jax.lax.top_k(-sqr, nsample)
    return idx

def index_points_gather(points, idx):
    # points [B,N,C], idx [B,S] -> [B,S,C]
    return jnp.take_along_axis(points, idx[..., None], axis=1)

def index_points_group(points, idx):
    # points [B,N,C], idx [B,S,K] -> [B,S,K,C]
    B, S, K = idx.shape
    g = jnp.take_along_axis(points, idx.reshape(B, S * K)[..., None], axis=1)
    return g.reshape(B, S, K, points.shape[-1])

def setup_inputs(seed: int = 0):
    key = jax.random.key(seed)
    k1, k2, k3, k4, k5, k6 = jax.random.split(key, 6)
    xyz = jax.random.normal(k1, (2, 3, 8192), dtype=jnp.float32)
    points = jax.random.normal(k2, (2, 64, 8192), dtype=jnp.float32)
    W_kernel = jax.random.normal(k3, (OUT_CH, IN_CH), dtype=jnp.float32) * 0.1
    W_linear = jax.random.normal(k4, (OUT_CH + NSAMPLE, OUT_CH + NSAMPLE), dtype=jnp.float32) * 0.1
    W_wp = jax.random.normal(k5, (NSAMPLE, NSAMPLE), dtype=jnp.float32) * 0.1
    W_wc = jax.random.normal(k6, (OUT_CH, OUT_CH), dtype=jnp.float32) * 0.1
    return {"xyz": xyz, "points": points, "W_kernel": W_kernel, "W_linear": W_linear, "W_wp": W_wp, "W_wc": W_wc}

def reference(xyz, points, W_kernel, W_linear, W_wp, W_wc):
    xyz_t = xyz.transpose(0, 2, 1)      # [B, N, 3]
    pts_t = points.transpose(0, 2, 1)   # [B, N, D]
    fps_idx = farthest_point_sample(xyz_t, NPOINT)          # [B, S]
    new_xyz = index_points_gather(xyz_t, fps_idx)           # [B, S, 3]
    knn_idx = knn_point(NSAMPLE, xyz_t, new_xyz)            # [B, S, K]
    grouped_xyz = index_points_group(xyz_t, knn_idx)        # [B, S, K, 3]
    grouped_xyz_norm = grouped_xyz - new_xyz[:, :, None, :]
    grouped_points = index_points_group(pts_t, knn_idx)     # [B, S, K, D]
    new_points = jnp.concatenate([grouped_xyz_norm, grouped_points], axis=-1)  # [B,S,K,3+D]
    x = new_points.transpose(0, 3, 1, 2)                    # [B, C_in, S, K]
    x = leaky_relu(jnp.einsum('oi,bisk->bosk', W_kernel, x))  # [B, out, S, K]
    channel_avg = jnp.mean(x, -1)                           # [B, out, S]
    point_avg = jnp.mean(x, 1)                              # [B, S, K]
    agg = jnp.concatenate([channel_avg, point_avg.transpose(0, 2, 1)], axis=1)  # [B, out+K, S]
    agg = leaky_relu(jnp.einsum('oi,bis->bos', W_linear, agg))
    weight_point = jax.nn.sigmoid(jnp.einsum('oi,bis->bos', W_wp, agg[:, -NSAMPLE:, :]))  # [B,K,S]
    weight_point = weight_point.transpose(0, 2, 1)[:, None, :, :]   # [B,1,S,K]
    weight_channel = jax.nn.sigmoid(jnp.einsum('oi,bis->bos', W_wc, agg[:, :-NSAMPLE, :]))[..., None]  # [B,out,S,1]
    x = x * weight_channel * weight_point
    out = jnp.mean(x, -1)                                   # [B, out, S]
    return (new_xyz.transpose(0, 2, 1), out, fps_idx)

if __name__ == "__main__":
    import jax
    _d = setup_inputs()
    print(jax.jit(kernel)(*tuple(_d.values())))

</pallas_src>

<mosaic_0001>
#map = affine_map<(d0, d1) -> (0, 0)>
module attributes {stable_mosaic.version = 14 : i64} {
  func.func @gk(%arg0: i32, %arg1: i32, %arg2: memref<16384x128xf32, #tpu.memory_space<hbm>>, %arg3: memref<512x128xi32, #tpu.memory_space<hbm>>, %arg4: memref<65536x128xf32, #tpu.memory_space<hbm>>, %arg5: memref<16x128xi32, #tpu.memory_space<vmem>>, %arg6: memref<128x128xf32, #tpu.memory_space<vmem>>, %arg7: memref<128x128xf32, #tpu.memory_space<vmem>>, %arg8: memref<!tpu.dma_semaphore, #tpu.memory_space<semaphore_mem>>, %arg9: memref<!tpu.dma_semaphore, #tpu.memory_space<semaphore_mem>>) attributes {dimension_semantics = [#tpu.dimension_semantics<core_parallel>, #tpu.dimension_semantics<subcore_parallel>], iteration_bounds = array<i64: 2, 16>, scalar_prefetch = 0 : i64, scratch_operands = 5 : i64, tpu.core_type = #tpu.core_type<sc_vector_subcore>, window_params = [{transform_indices = #map}, {transform_indices = #map}, {transform_indices = #map}]} {
    %mul3A = arith.constant 2 : i32
    %mul3A_0 = arith.muli %arg1, %mul3A : i32
    %add3A = arith.addi %mul3A_0, %arg0 : i32
    %mul3A_1 = arith.constant 16 : i32
    %mul3A_2 = arith.muli %add3A, %mul3A_1 : i32
    "tpu.region"() ({
      %run_scoped3A = tpu.sem_alloc : memref<!tpu.dma_semaphore, #tpu.memory_space<semaphore_mem>>
      %dma_start3A_289 = arith.constant 0 : i32
      %dma_start3A_290 = tpu.memref_slice %arg3[%mul3A_2, %dma_start3A_289] : memref<512x128xi32, #tpu.memory_space<hbm>> -> memref<16x128xi32, #tpu.memory_space<hbm>>
      %dma_start3A_291 = arith.constant 0 : i32
      %dma_start3A_292 = tpu.memref_slice %arg3[%mul3A_2, %dma_start3A_291] : memref<512x128xi32, #tpu.memory_space<hbm>> -> memref<16x128xi32, #tpu.memory_space<hbm>>
      tpu.enqueue_dma source(%dma_start3A_292 : memref<16x128xi32, #tpu.memory_space<hbm>>) target(%arg5 : memref<16x128xi32, #tpu.memory_space<vmem>>) target_semaphore(%run_scoped3A : memref<!tpu.dma_semaphore, #tpu.memory_space<semaphore_mem>>)
      %dma_wait3A_293 = arith.constant 0 : i32
      %dma_wait3A_294 = tpu.memref_slice %arg3[%mul3A_2, %dma_wait3A_293] : memref<512x128xi32, #tpu.memory_space<hbm>> -> memref<16x128xi32, #tpu.memory_space<hbm>>
      %dma_wait3A_295 = arith.constant 0 : i32
      %dma_wait3A_296 = tpu.memref_slice %arg3[%mul3A_2, %dma_wait3A_295] : memref<512x128xi32, #tpu.memory_space<hbm>> -> memref<16x128xi32, #tpu.memory_space<hbm>>
      tpu.wait_dma2 semaphore(%run_scoped3A : memref<!tpu.dma_semaphore, #tpu.memory_space<semaphore_mem>>) src(%dma_wait3A_296 : memref<16x128xi32, #tpu.memory_space<hbm>>) dst(%arg5 : memref<16x128xi32, #tpu.memory_space<vmem>>)
      tpu.yield
    }) : () -> ()
    %dma_start3A = arith.constant 0 : i32
    %dma_start3A_3 = arith.constant 0 : i32
    %dma_start3A_4 = tpu.memref_slice %arg5[%dma_start3A, %dma_start3A_3] : memref<16x128xi32, #tpu.memory_space<vmem>> -> memref<1x128xi32, #tpu.memory_space<vmem>>
    %dma_start3A_5 = tpu.memref_squeeze %dma_start3A_4 : memref<1x128xi32, #tpu.memory_space<vmem>> -> memref<128xi32, #tpu.memory_space<vmem>>
    %dma_start3A_6 = arith.constant 0 : i32
    %dma_start3A_7 = arith.constant 0 : i32
    %dma_start3A_8 = tpu.memref_slice %arg2[%dma_start3A_6, %dma_start3A_7] : memref<16384x128xf32, #tpu.memory_space<hbm>> -> memref<16384x128xf32, #tpu.memory_space<hbm>>
    tpu.enqueue_indirect_dma source(%dma_start3A_8 : memref<16384x128xf32, #tpu.memory_space<hbm>>) target(%arg6 : memref<128x128xf32, #tpu.memory_space<vmem>>) offsets(%dma_start3A_5 : memref<128xi32, #tpu.memory_space<vmem>>) semaphore(%arg8 : memref<!tpu.dma_semaphore, #tpu.memory_space<semaphore_mem>>)
    %dma_wait3A = arith.constant 0 : i32
    %dma_wait3A_9 = arith.constant 0 : i32
    %dma_wait3A_10 = tpu.memref_slice %arg5[%dma_wait3A, %dma_wait3A_9] : memref<16x128xi32, #tpu.memory_space<vmem>> -> memref<1x128xi32, #tpu.memory_space<vmem>>
    %dma_wait3A_11 = tpu.memref_squeeze %dma_wait3A_10 : memref<1x128xi32, #tpu.memory_space<vmem>> -> memref<128xi32, #tpu.memory_space<vmem>>
    %dma_wait3A_12 = arith.constant 0 : i32
    %dma_wait3A_13 = arith.constant 0 : i32
    %dma_wait3A_14 = tpu.memref_slice %arg2[%dma_wait3A_12, %dma_wait3A_13] : memref<16384x128xf32, #tpu.memory_space<hbm>> -> memref<16384x128xf32, #tpu.memory_space<hbm>>
    tpu.wait_indirect_dma semaphore(%arg8 : memref<!tpu.dma_semaphore, #tpu.memory_space<semaphore_mem>>) src(%dma_wait3A_14 : memref<16384x128xf32, #tpu.memory_space<hbm>>) dst(%arg6 : memref<128x128xf32, #tpu.memory_space<vmem>>)
    %dma_start3A_15 = arith.constant 1 : i32
    %dma_start3A_16 = arith.constant 0 : i32
    %dma_start3A_17 = tpu.memref_slice %arg5[%dma_start3A_15, %dma_start3A_16] : memref<16x128xi32, #tpu.memory_space<vmem>> -> memref<1x128xi32, #tpu.memory_space<vmem>>
    %dma_start3A_18 = tpu.memref_squeeze %dma_start3A_17 : memref<1x128xi32, #tpu.memory_space<vmem>> -> memref<128xi32, #tpu.memory_space<vmem>>
    %dma_start3A_19 = arith.constant 0 : i32
    %dma_start3A_20 = arith.constant 0 : i32
    %dma_start3A_21 = tpu.memref_slice %arg2[%dma_start3A_19, %dma_start3A_20] : memref<16384x128xf32, #tpu.memory_space<hbm>> -> memref<16384x128xf32, #tpu.memory_space<hbm>>
    tpu.enqueue_indirect_dma source(%dma_start3A_21 : memref<16384x128xf32, #tpu.memory_space<hbm>>) target(%arg7 : memref<128x128xf32, #tpu.memory_space<vmem>>) offsets(%dma_start3A_18 : memref<128xi32, #tpu.memory_space<vmem>>) semaphore(%arg9 : memref<!tpu.dma_semaphore, #tpu.memory_space<semaphore_mem>>)
    %mul3A_22 = arith.constant 2048 : i32
    %mul3A_23 = arith.muli %add3A, %mul3A_22 : i32
    %add3A_24 = arith.constant 0 : i32
    %add3A_25 = arith.addi %mul3A_23, %add3A_24 : i32
    "tpu.region"() ({
      %run_scoped3A = tpu.sem_alloc : memref<!tpu.dma_semaphore, #tpu.memory_space<semaphore_mem>>
      %dma_start3A_289 = arith.constant 0 : i32
      %dma_start3A_290 = tpu.memref_slice %arg4[%add3A_25, %dma_start3A_289] : memref<65536x128xf32, #tpu.memory_space<hbm>> -> memref<128x128xf32, #tpu.memory_space<hbm>>
      %dma_start3A_291 = arith.constant 0 : i32
      %dma_start3A_292 = tpu.memref_slice %arg4[%add3A_25, %dma_start3A_291] : memref<65536x128xf32, #tpu.memory_space<hbm>> -> memref<128x128xf32, #tpu.memory_space<hbm>>
      tpu.enqueue_dma source(%arg6 : memref<128x128xf32, #tpu.memory_space<vmem>>) target(%dma_start3A_292 : memref<128x128xf32, #tpu.memory_space<hbm>>) target_semaphore(%run_scoped3A : memref<!tpu.dma_semaphore, #tpu.memory_space<semaphore_mem>>)
      %dma_wait3A_293 = arith.constant 0 : i32
      %dma_wait3A_294 = tpu.memref_slice %arg4[%add3A_25, %dma_wait3A_293] : memref<65536x128xf32, #tpu.memory_space<hbm>> -> memref<128x128xf32, #tpu.memory_space<hbm>>
      %dma_wait3A_295 = arith.constant 0 : i32
      %dma_wait3A_296 = tpu.memref_slice %arg4[%add3A_25, %dma_wait3A_295] : memref<65536x128xf32, #tpu.memory_space<hbm>> -> memref<128x128xf32, #tpu.memory_space<hbm>>
      tpu.wait_dma2 semaphore(%run_scoped3A : memref<!tpu.dma_semaphore, #tpu.memory_space<semaphore_mem>>) src(%arg6 : memref<128x128xf32, #tpu.memory_space<vmem>>) dst(%dma_wait3A_296 : memref<128x128xf32, #tpu.memory_space<hbm>>)
      tpu.yield
    }) : () -> ()
    %dma_wait3A_26 = arith.constant 1 : i32
    %dma_wait3A_27 = arith.constant 0 : i32
    %dma_wait3A_28 = tpu.memref_slice %arg5[%dma_wait3A_26, %dma_wait3A_27] : memref<16x128xi32, #tpu.memory_space<vmem>> -> memref<1x128xi32, #tpu.memory_space<vmem>>
    %dma_wait3A_29 = tpu.memref_squeeze %dma_wait3A_28 : memref<1x128xi32, #tpu.memory_space<vmem>> -> memref<128xi32, #tpu.memory_space<vmem>>
    %dma_wait3A_30 = arith.constant 0 : i32
    %dma_wait3A_31 = arith.constant 0 : i32
    %dma_wait3A_32 = tpu.memref_slice %arg2[%dma_wait3A_30, %dma_wait3A_31] : memref<16384x128xf32, #tpu.memory_space<hbm>> -> memref<16384x128xf32, #tpu.memory_space<hbm>>
    tpu.wait_indirect_dma semaphore(%arg9 : memref<!tpu.dma_semaphore, #tpu.memory_space<semaphore_mem>>) src(%dma_wait3A_32 : memref<16384x128xf32, #tpu.memory_space<hbm>>) dst(%arg7 : memref<128x128xf32, #tpu.memory_space<vmem>>)
    %dma_start3A_33 = arith.constant 2 : i32
    %dma_start3A_34 = arith.constant 0 : i32
    %dma_start3A_35 = tpu.memref_slice %arg5[%dma_start3A_33, %dma_start3A_34] : memref<16x128xi32, #tpu.memory_space<vmem>> -> memref<1x128xi32, #tpu.memory_space<vmem>>
    %dma_start3A_36 = tpu.memref_squeeze %dma_start3A_35 : memref<1x128xi32, #tpu.memory_space<vmem>> -> memref<128xi32, #tpu.memory_space<vmem>>
    %dma_start3A_37 = arith.constant 0 : i32
    %dma_start3A_38 = arith.constant 0 : i32
    %dma_start3A_39 = tpu.memref_slice %arg2[%dma_start3A_37, %dma_start3A_38] : memref<16384x128xf32, #tpu.memory_space<hbm>> -> memref<16384x128xf32, #tpu.memory_space<hbm>>
    tpu.enqueue_indirect_dma source(%dma_start3A_39 : memref<16384x128xf32, #tpu.memory_space<hbm>>) target(%arg6 : memref<128x128xf32, #tpu.memory_space<vmem>>) offsets(%dma_start3A_36 : memref<128xi32, #tpu.memory_space<vmem>>) semaphore(%arg8 : memref<!tpu.dma_semaphore, #tpu.memory_space<semaphore_mem>>)
    %mul3A_40 = arith.constant 2048 : i32
    %mul3A_41 = arith.muli %add3A, %mul3A_40 : i32
    %add3A_42 = arith.constant 128 : i32
    %add3A_43 = arith.addi %mul3A_41, %add3A_42 : i32
    "tpu.region"() ({
      %run_scoped3A = tpu.sem_alloc : memref<!tpu.dma_semaphore, #tpu.memory_space<semaphore_mem>>
      %dma_start3A_289 = arith.constant 0 : i32
      %dma_start3A_290 = tpu.memref_slice %arg4[%add3A_43, %dma_start3A_289] : memref<65536x128xf32, #tpu.memory_space<hbm>> -> memref<128x128xf32, #tpu.memory_space<hbm>>
      %dma_start3A_291 = arith.constant 0 : i32
      %dma_start3A_292 = tpu.memref_slice %arg4[%add3A_43, %dma_start3A_291] : memref<65536x128xf32, #tpu.memory_space<hbm>> -> memref<128x128xf32, #tpu.memory_space<hbm>>
      tpu.enqueue_dma source(%arg7 : memref<128x128xf32, #tpu.memory_space<vmem>>) target(%dma_start3A_292 : memref<128x128xf32, #tpu.memory_space<hbm>>) target_semaphore(%run_scoped3A : memref<!tpu.dma_semaphore, #tpu.memory_space<semaphore_mem>>)
      %dma_wait3A_293 = arith.constant 0 : i32
      %dma_wait3A_294 = tpu.memref_slice %arg4[%add3A_43, %dma_wait3A_293] : memref<65536x128xf32, #tpu.memory_space<hbm>> -> memref<128x128xf32, #tpu.memory_space<hbm>>
      %dma_wait3A_295 = arith.constant 0 : i32
      %dma_wait3A_296 = tpu.memref_slice %arg4[%add3A_43, %dma_wait3A_295] : memref<65536x128xf32, #tpu.memory_space<hbm>> -> memref<128x128xf32, #tpu.memory_space<hbm>>
      tpu.wait_dma2 semaphore(%run_scoped3A : memref<!tpu.dma_semaphore, #tpu.memory_space<semaphore_mem>>) src(%arg7 : memref<128x128xf32, #tpu.memory_space<vmem>>) dst(%dma_wait3A_296 : memref<128x128xf32, #tpu.memory_space<hbm>>)
      tpu.yield
    }) : () -> ()
    %dma_wait3A_44 = arith.constant 2 : i32
    %dma_wait3A_45 = arith.constant 0 : i32
    %dma_wait3A_46 = tpu.memref_slice %arg5[%dma_wait3A_44, %dma_wait3A_45] : memref<16x128xi32, #tpu.memory_space<vmem>> -> memref<1x128xi32, #tpu.memory_space<vmem>>
    %dma_wait3A_47 = tpu.memref_squeeze %dma_wait3A_46 : memref<1x128xi32, #tpu.memory_space<vmem>> -> memref<128xi32, #tpu.memory_space<vmem>>
    %dma_wait3A_48 = arith.constant 0 : i32
    %dma_wait3A_49 = arith.constant 0 : i32
    %dma_wait3A_50 = tpu.memref_slice %arg2[%dma_wait3A_48, %dma_wait3A_49] : memref<16384x128xf32, #tpu.memory_space<hbm>> -> memref<16384x128xf32, #tpu.memory_space<hbm>>
    tpu.wait_indirect_dma semaphore(%arg8 : memref<!tpu.dma_semaphore, #tpu.memory_space<semaphore_mem>>) src(%dma_wait3A_50 : memref<16384x128xf32, #tpu.memory_space<hbm>>) dst(%arg6 : memref<128x128xf32, #tpu.memory_space<vmem>>)
    %dma_start3A_51 = arith.constant 3 : i32
    %dma_start3A_52 = arith.constant 0 : i32
    %dma_start3A_53 = tpu.memref_slice %arg5[%dma_start3A_51, %dma_start3A_52] : memref<16x128xi32, #tpu.memory_space<vmem>> -> memref<1x128xi32, #tpu.memory_space<vmem>>
    %dma_start3A_54 = tpu.memref_squeeze %dma_start3A_53 : memref<1x128xi32, #tpu.memory_space<vmem>> -> memref<128xi32, #tpu.memory_space<vmem>>
    %dma_start3A_55 = arith.constant 0 : i32
    %dma_start3A_56 = arith.constant 0 : i32
    %dma_start3A_57 = tpu.memref_slice %arg2[%dma_start3A_55, %dma_start3A_56] : memref<16384x128xf32, #tpu.memory_space<hbm>> -> memref<16384x128xf32, #tpu.memory_space<hbm>>
    tpu.enqueue_indirect_dma source(%dma_start3A_57 : memref<16384x128xf32, #tpu.memory_space<hbm>>) target(%arg7 : memref<128x128xf32, #tpu.memory_space<vmem>>) offsets(%dma_start3A_54 : memref<128xi32, #tpu.memory_space<vmem>>) semaphore(%arg9 : memref<!tpu.dma_semaphore, #tpu.memory_space<semaphore_mem>>)
    %mul3A_58 = arith.constant 2048 : i32
    %mul3A_59 = arith.muli %add3A, %mul3A_58 : i32
    %add3A_60 = arith.constant 256 : i32
    %add3A_61 = arith.addi %mul3A_59, %add3A_60 : i32
    "tpu.region"() ({
      %run_scoped3A = tpu.sem_alloc : memref<!tpu.dma_semaphore, #tpu.memory_space<semaphore_mem>>
      %dma_start3A_289 = arith.constant 0 : i32
      %dma_start3A_290 = tpu.memref_slice %arg4[%add3A_61, %dma_start3A_289] : memref<65536x128xf32, #tpu.memory_space<hbm>> -> memref<128x128xf32, #tpu.memory_space<hbm>>
      %dma_start3A_291 = arith.constant 0 : i32
      %dma_start3A_292 = tpu.memref_slice %arg4[%add3A_61, %dma_start3A_291] : memref<65536x128xf32, #tpu.memory_space<hbm>> -> memref<128x128xf32, #tpu.memory_space<hbm>>
      tpu.enqueue_dma source(%arg6 : memref<128x128xf32, #tpu.memory_space<vmem>>) target(%dma_start3A_292 : memref<128x128xf32, #tpu.memory_space<hbm>>) target_semaphore(%run_scoped3A : memref<!tpu.dma_semaphore, #tpu.memory_space<semaphore_mem>>)
      %dma_wait3A_293 = arith.constant 0 : i32
      %dma_wait3A_294 = tpu.memref_slice %arg4[%add3A_61, %dma_wait3A_293] : memref<65536x128xf32, #tpu.memory_space<hbm>> -> memref<128x128xf32, #tpu.memory_space<hbm>>
      %dma_wait3A_295 = arith.constant 0 : i32
      %dma_wait3A_296 = tpu.memref_slice %arg4[%add3A_61, %dma_wait3A_295] : memref<65536x128xf32, #tpu.memory_space<hbm>> -> memref<128x128xf32, #tpu.memory_space<hbm>>
      tpu.wait_dma2 semaphore(%run_scoped3A : memref<!tpu.dma_semaphore, #tpu.memory_space<semaphore_mem>>) src(%arg6 : memref<128x128xf32, #tpu.memory_space<vmem>>) dst(%dma_wait3A_296 : memref<128x128xf32, #tpu.memory_space<hbm>>)
      tpu.yield
    }) : () -> ()
    %dma_wait3A_62 = arith.constant 3 : i32
    %dma_wait3A_63 = arith.constant 0 : i32
    %dma_wait3A_64 = tpu.memref_slice %arg5[%dma_wait3A_62, %dma_wait3A_63] : memref<16x128xi32, #tpu.memory_space<vmem>> -> memref<1x128xi32, #tpu.memory_space<vmem>>
    %dma_wait3A_65 = tpu.memref_squeeze %dma_wait3A_64 : memref<1x128xi32, #tpu.memory_space<vmem>> -> memref<128xi32, #tpu.memory_space<vmem>>
    %dma_wait3A_66 = arith.constant 0 : i32
    %dma_wait3A_67 = arith.constant 0 : i32
    %dma_wait3A_68 = tpu.memref_slice %arg2[%dma_wait3A_66, %dma_wait3A_67] : memref<16384x128xf32, #tpu.memory_space<hbm>> -> memref<16384x128xf32, #tpu.memory_space<hbm>>
    tpu.wait_indirect_dma semaphore(%arg9 : memref<!tpu.dma_semaphore, #tpu.memory_space<semaphore_mem>>) src(%dma_wait3A_68 : memref<16384x128xf32, #tpu.memory_space<hbm>>) dst(%arg7 : memref<128x128xf32, #tpu.memory_space<vmem>>)
    %dma_start3A_69 = arith.constant 4 : i32
    %dma_start3A_70 = arith.constant 0 : i32
    %dma_start3A_71 = tpu.memref_slice %arg5[%dma_start3A_69, %dma_start3A_70] : memref<16x128xi32, #tpu.memory_space<vmem>> -> memref<1x128xi32, #tpu.memory_space<vmem>>
    %dma_start3A_72 = tpu.memref_squeeze %dma_start3A_71 : memref<1x128xi32, #tpu.memory_space<vmem>> -> memref<128xi32, #tpu.memory_space<vmem>>
    %dma_start3A_73 = arith.constant 0 : i32
    %dma_start3A_74 = arith.constant 0 : i32
    %dma_start3A_75 = tpu.memref_slice %arg2[%dma_start3A_73, %dma_start3A_74] : memref<16384x128xf32, #tpu.memory_space<hbm>> -> memref<16384x128xf32, #tpu.memory_space<hbm>>
    tpu.enqueue_indirect_dma source(%dma_start3A_75 : memref<16384x128xf32, #tpu.memory_space<hbm>>) target(%arg6 : memref<128x128xf32, #tpu.memory_space<vmem>>) offsets(%dma_start3A_72 : memref<128xi32, #tpu.memory_space<vmem>>) semaphore(%arg8 : memref<!tpu.dma_semaphore, #tpu.memory_space<semaphore_mem>>)
    %mul3A_76 = arith.constant 2048 : i32
    %mul3A_77 = arith.muli %add3A, %mul3A_76 : i32
    %add3A_78 = arith.constant 384 : i32
    %add3A_79 = arith.addi %mul3A_77, %add3A_78 : i32
    "tpu.region"() ({
      %run_scoped3A = tpu.sem_alloc : memref<!tpu.dma_semaphore, #tpu.memory_space<semaphore_mem>>
      %dma_start3A_289 = arith.constant 0 : i32
      %dma_start3A_290 = tpu.memref_slice %arg4[%add3A_79, %dma_start3A_289] : memref<65536x128xf32, #tpu.memory_space<hbm>> -> memref<128x128xf32, #tpu.memory_space<hbm>>
      %dma_start3A_291 = arith.constant 0 : i32
      %dma_start3A_292 = tpu.memref_slice %arg4[%add3A_79, %dma_start3A_291] : memref<65536x128xf32, #tpu.memory_space<hbm>> -> memref<128x128xf32, #tpu.memory_space<hbm>>
      tpu.enqueue_dma source(%arg7 : memref<128x128xf32, #tpu.memory_space<vmem>>) target(%dma_start3A_292 : memref<128x128xf32, #tpu.memory_space<hbm>>) target_semaphore(%run_scoped3A : memref<!tpu.dma_semaphore, #tpu.memory_space<semaphore_mem>>)
      %dma_wait3A_293 = arith.constant 0 : i32
      %dma_wait3A_294 = tpu.memref_slice %arg4[%add3A_79, %dma_wait3A_293] : memref<65536x128xf32, #tpu.memory_space<hbm>> -> memref<128x128xf32, #tpu.memory_space<hbm>>
      %dma_wait3A_295 = arith.constant 0 : i32
      %dma_wait3A_296 = tpu.memref_slice %arg4[%add3A_79, %dma_wait3A_295] : memref<65536x128xf32, #tpu.memory_space<hbm>> -> memref<128x128xf32, #tpu.memory_space<hbm>>
      tpu.wait_dma2 semaphore(%run_scoped3A : memref<!tpu.dma_semaphore, #tpu.memory_space<semaphore_mem>>) src(%arg7 : memref<128x128xf32, #tpu.memory_space<vmem>>) dst(%dma_wait3A_296 : memref<128x128xf32, #tpu.memory_space<hbm>>)
      tpu.yield
    }) : () -> ()
    %dma_wait3A_80 = arith.constant 4 : i32
    %dma_wait3A_81 = arith.constant 0 : i32
    %dma_wait3A_82 = tpu.memref_slice %arg5[%dma_wait3A_80, %dma_wait3A_81] : memref<16x128xi32, #tpu.memory_space<vmem>> -> memref<1x128xi32, #tpu.memory_space<vmem>>
    %dma_wait3A_83 = tpu.memref_squeeze %dma_wait3A_82 : memref<1x128xi32, #tpu.memory_space<vmem>> -> memref<128xi32, #tpu.memory_space<vmem>>
    %dma_wait3A_84 = arith.constant 0 : i32
    %dma_wait3A_85 = arith.constant 0 : i32
    %dma_wait3A_86 = tpu.memref_slice %arg2[%dma_wait3A_84, %dma_wait3A_85] : memref<16384x128xf32, #tpu.memory_space<hbm>> -> memref<16384x128xf32, #tpu.memory_space<hbm>>
    tpu.wait_indirect_dma semaphore(%arg8 : memref<!tpu.dma_semaphore, #tpu.memory_space<semaphore_mem>>) src(%dma_wait3A_86 : memref<16384x128xf32, #tpu.memory_space<hbm>>) dst(%arg6 : memref<128x128xf32, #tpu.memory_space<vmem>>)
    %dma_start3A_87 = arith.constant 5 : i32
    %dma_start3A_88 = arith.constant 0 : i32
    %dma_start3A_89 = tpu.memref_slice %arg5[%dma_start3A_87, %dma_start3A_88] : memref<16x128xi32, #tpu.memory_space<vmem>> -> memref<1x128xi32, #tpu.memory_space<vmem>>
    %dma_start3A_90 = tpu.memref_squeeze %dma_start3A_89 : memref<1x128xi32, #tpu.memory_space<vmem>> -> memref<128xi32, #tpu.memory_space<vmem>>
    %dma_start3A_91 = arith.constant 0 : i32
    %dma_start3A_92 = arith.constant 0 : i32
    %dma_start3A_93 = tpu.memref_slice %arg2[%dma_start3A_91, %dma_start3A_92] : memref<16384x128xf32, #tpu.memory_space<hbm>> -> memref<16384x128xf32, #tpu.memory_space<hbm>>
    tpu.enqueue_indirect_dma source(%dma_start3A_93 : memref<16384x128xf32, #tpu.memory_space<hbm>>) target(%arg7 : memref<128x128xf32, #tpu.memory_space<vmem>>) offsets(%dma_start3A_90 : memref<128xi32, #tpu.memory_space<vmem>>) semaphore(%arg9 : memref<!tpu.dma_semaphore, #tpu.memory_space<semaphore_mem>>)
    %mul3A_94 = arith.constant 2048 : i32
    %mul3A_95 = arith.muli %add3A, %mul3A_94 : i32
    %add3A_96 = arith.constant 512 : i32
    %add3A_97 = arith.addi %mul3A_95, %add3A_96 : i32
    "tpu.region"() ({
      %run_scoped3A = tpu.sem_alloc : memref<!tpu.dma_semaphore, #tpu.memory_space<semaphore_mem>>
      %dma_start3A_289 = arith.constant 0 : i32
      %dma_start3A_290 = tpu.memref_slice %arg4[%add3A_97, %dma_start3A_289] : memref<65536x128xf32, #tpu.memory_space<hbm>> -> memref<128x128xf32, #tpu.memory_space<hbm>>
      %dma_start3A_291 = arith.constant 0 : i32
      %dma_start3A_292 = tpu.memref_slice %arg4[%add3A_97, %dma_start3A_291] : memref<65536x128xf32, #tpu.memory_space<hbm>> -> memref<128x128xf32, #tpu.memory_space<hbm>>
      tpu.enqueue_dma source(%arg6 : memref<128x128xf32, #tpu.memory_space<vmem>>) target(%dma_start3A_292 : memref<128x128xf32, #tpu.memory_space<hbm>>) target_semaphore(%run_scoped3A : memref<!tpu.dma_semaphore, #tpu.memory_space<semaphore_mem>>)
      %dma_wait3A_293 = arith.constant 0 : i32
      %dma_wait3A_294 = tpu.memref_slice %arg4[%add3A_97, %dma_wait3A_293] : memref<65536x128xf32, #tpu.memory_space<hbm>> -> memref<128x128xf32, #tpu.memory_space<hbm>>
      %dma_wait3A_295 = arith.constant 0 : i32
      %dma_wait3A_296 = tpu.memref_slice %arg4[%add3A_97, %dma_wait3A_295] : memref<65536x128xf32, #tpu.memory_space<hbm>> -> memref<128x128xf32, #tpu.memory_space<hbm>>
      tpu.wait_dma2 semaphore(%run_scoped3A : memref<!tpu.dma_semaphore, #tpu.memory_space<semaphore_mem>>) src(%arg6 : memref<128x128xf32, #tpu.memory_space<vmem>>) dst(%dma_wait3A_296 : memref<128x128xf32, #tpu.memory_space<hbm>>)
      tpu.yield
    }) : () -> ()
    %dma_wait3A_98 = arith.constant 5 : i32
    %dma_wait3A_99 = arith.constant 0 : i32
    %dma_wait3A_100 = tpu.memref_slice %arg5[%dma_wait3A_98, %dma_wait3A_99] : memref<16x128xi32, #tpu.memory_space<vmem>> -> memref<1x128xi32, #tpu.memory_space<vmem>>
    %dma_wait3A_101 = tpu.memref_squeeze %dma_wait3A_100 : memref<1x128xi32, #tpu.memory_space<vmem>> -> memref<128xi32, #tpu.memory_space<vmem>>
    %dma_wait3A_102 = arith.constant 0 : i32
    %dma_wait3A_103 = arith.constant 0 : i32
    %dma_wait3A_104 = tpu.memref_slice %arg2[%dma_wait3A_102, %dma_wait3A_103] : memref<16384x128xf32, #tpu.memory_space<hbm>> -> memref<16384x128xf32, #tpu.memory_space<hbm>>
    tpu.wait_indirect_dma semaphore(%arg9 : memref<!tpu.dma_semaphore, #tpu.memory_space<semaphore_mem>>) src(%dma_wait3A_104 : memref<16384x128xf32, #tpu.memory_space<hbm>>) dst(%arg7 : memref<128x128xf32, #tpu.memory_space<vmem>>)
    %dma_start3A_105 = arith.constant 6 : i32
    %dma_start3A_106 = arith.constant 0 : i32
    %dma_start3A_107 = tpu.memref_slice %arg5[%dma_start3A_105, %dma_start3A_106] : memref<16x128xi32, #tpu.memory_space<vmem>> -> memref<1x128xi32, #tpu.memory_space<vmem>>
    %dma_start3A_108 = tpu.memref_squeeze %dma_start3A_107 : memref<1x128xi32, #tpu.memory_space<vmem>> -> memref<128xi32, #tpu.memory_space<vmem>>
    %dma_start3A_109 = arith.constant 0 : i32
    %dma_start3A_110 = arith.constant 0 : i32
    %dma_start3A_111 = tpu.memref_slice %arg2[%dma_start3A_109, %dma_start3A_110] : memref<16384x128xf32, #tpu.memory_space<hbm>> -> memref<16384x128xf32, #tpu.memory_space<hbm>>
    tpu.enqueue_indirect_dma source(%dma_start3A_111 : memref<16384x128xf32, #tpu.memory_space<hbm>>) target(%arg6 : memref<128x128xf32, #tpu.memory_space<vmem>>) offsets(%dma_start3A_108 : memref<128xi32, #tpu.memory_space<vmem>>) semaphore(%arg8 : memref<!tpu.dma_semaphore, #tpu.memory_space<semaphore_mem>>)
    %mul3A_112 = arith.constant 2048 : i32
    %mul3A_113 = arith.muli %add3A, %mul3A_112 : i32
    %add3A_114 = arith.constant 640 : i32
    %add3A_115 = arith.addi %mul3A_113, %add3A_114 : i32
    "tpu.region"() ({
      %run_scoped3A = tpu.sem_alloc : memref<!tpu.dma_semaphore, #tpu.memory_space<semaphore_mem>>
      %dma_start3A_289 = arith.constant 0 : i32
      %dma_start3A_290 = tpu.memref_slice %arg4[%add3A_115, %dma_start3A_289] : memref<65536x128xf32, #tpu.memory_space<hbm>> -> memref<128x128xf32, #tpu.memory_space<hbm>>
      %dma_start3A_291 = arith.constant 0 : i32
      %dma_start3A_292 = tpu.memref_slice %arg4[%add3A_115, %dma_start3A_291] : memref<65536x128xf32, #tpu.memory_space<hbm>> -> memref<128x128xf32, #tpu.memory_space<hbm>>
      tpu.enqueue_dma source(%arg7 : memref<128x128xf32, #tpu.memory_space<vmem>>) target(%dma_start3A_292 : memref<128x128xf32, #tpu.memory_space<hbm>>) target_semaphore(%run_scoped3A : memref<!tpu.dma_semaphore, #tpu.memory_space<semaphore_mem>>)
      %dma_wait3A_293 = arith.constant 0 : i32
      %dma_wait3A_294 = tpu.memref_slice %arg4[%add3A_115, %dma_wait3A_293] : memref<65536x128xf32, #tpu.memory_space<hbm>> -> memref<128x128xf32, #tpu.memory_space<hbm>>
      %dma_wait3A_295 = arith.constant 0 : i32
      %dma_wait3A_296 = tpu.memref_slice %arg4[%add3A_115, %dma_wait3A_295] : memref<65536x128xf32, #tpu.memory_space<hbm>> -> memref<128x128xf32, #tpu.memory_space<hbm>>
      tpu.wait_dma2 semaphore(%run_scoped3A : memref<!tpu.dma_semaphore, #tpu.memory_space<semaphore_mem>>) src(%arg7 : memref<128x128xf32, #tpu.memory_space<vmem>>) dst(%dma_wait3A_296 : memref<128x128xf32, #tpu.memory_space<hbm>>)
      tpu.yield
    }) : () -> ()
    %dma_wait3A_116 = arith.constant 6 : i32
    %dma_wait3A_117 = arith.constant 0 : i32
    %dma_wait3A_118 = tpu.memref_slice %arg5[%dma_wait3A_116, %dma_wait3A_117] : memref<16x128xi32, #tpu.memory_space<vmem>> -> memref<1x128xi32, #tpu.memory_space<vmem>>
    %dma_wait3A_119 = tpu.memref_squeeze %dma_wait3A_118 : memref<1x128xi32, #tpu.memory_space<vmem>> -> memref<128xi32, #tpu.memory_space<vmem>>
    %dma_wait3A_120 = arith.constant 0 : i32
    %dma_wait3A_121 = arith.constant 0 : i32
    %dma_wait3A_122 = tpu.memref_slice %arg2[%dma_wait3A_120, %dma_wait3A_121] : memref<16384x128xf32, #tpu.memory_space<hbm>> -> memref<16384x128xf32, #tpu.memory_space<hbm>>
    tpu.wait_indirect_dma semaphore(%arg8 : memref<!tpu.dma_semaphore, #tpu.memory_space<semaphore_mem>>) src(%dma_wait3A_122 : memref<16384x128xf32, #tpu.memory_space<hbm>>) dst(%arg6 : memref<128x128xf32, #tpu.memory_space<vmem>>)
    %dma_start3A_123 = arith.constant 7 : i32
    %dma_start3A_124 = arith.constant 0 : i32
    %dma_start3A_125 = tpu.memref_slice %arg5[%dma_start3A_123, %dma_start3A_124] : memref<16x128xi32, #tpu.memory_space<vmem>> -> memref<1x128xi32, #tpu.memory_space<vmem>>
    %dma_start3A_126 = tpu.memref_squeeze %dma_start3A_125 : memref<1x128xi32, #tpu.memory_space<vmem>> -> memref<128xi32, #tpu.memory_space<vmem>>
    %dma_start3A_127 = arith.constant 0 : i32
    %dma_start3A_128 = arith.constant 0 : i32
    %dma_start3A_129 = tpu.memref_slice %arg2[%dma_start3A_127, %dma_start3A_128] : memref<16384x128xf32, #tpu.memory_space<hbm>> -> memref<16384x128xf32, #tpu.memory_space<hbm>>
    tpu.enqueue_indirect_dma source(%dma_start3A_129 : memref<16384x128xf32, #tpu.memory_space<hbm>>) target(%arg7 : memref<128x128xf32, #tpu.memory_space<vmem>>) offsets(%dma_start3A_126 : memref<128xi32, #tpu.memory_space<vmem>>) semaphore(%arg9 : memref<!tpu.dma_semaphore, #tpu.memory_space<semaphore_mem>>)
    %mul3A_130 = arith.constant 2048 : i32
    %mul3A_131 = arith.muli %add3A, %mul3A_130 : i32
    %add3A_132 = arith.constant 768 : i32
    %add3A_133 = arith.addi %mul3A_131, %add3A_132 : i32
    "tpu.region"() ({
      %run_scoped3A = tpu.sem_alloc : memref<!tpu.dma_semaphore, #tpu.memory_space<semaphore_mem>>
      %dma_start3A_289 = arith.constant 0 : i32
      %dma_start3A_290 = tpu.memref_slice %arg4[%add3A_133, %dma_start3A_289] : memref<65536x128xf32, #tpu.memory_space<hbm>> -> memref<128x128xf32, #tpu.memory_space<hbm>>
      %dma_start3A_291 = arith.constant 0 : i32
      %dma_start3A_292 = tpu.memref_slice %arg4[%add3A_133, %dma_start3A_291] : memref<65536x128xf32, #tpu.memory_space<hbm>> -> memref<128x128xf32, #tpu.memory_space<hbm>>
      tpu.enqueue_dma source(%arg6 : memref<128x128xf32, #tpu.memory_space<vmem>>) target(%dma_start3A_292 : memref<128x128xf32, #tpu.memory_space<hbm>>) target_semaphore(%run_scoped3A : memref<!tpu.dma_semaphore, #tpu.memory_space<semaphore_mem>>)
      %dma_wait3A_293 = arith.constant 0 : i32
      %dma_wait3A_294 = tpu.memref_slice %arg4[%add3A_133, %dma_wait3A_293] : memref<65536x128xf32, #tpu.memory_space<hbm>> -> memref<128x128xf32, #tpu.memory_space<hbm>>
      %dma_wait3A_295 = arith.constant 0 : i32
      %dma_wait3A_296 = tpu.memref_slice %arg4[%add3A_133, %dma_wait3A_295] : memref<65536x128xf32, #tpu.memory_space<hbm>> -> memref<128x128xf32, #tpu.memory_space<hbm>>
      tpu.wait_dma2 semaphore(%run_scoped3A : memref<!tpu.dma_semaphore, #tpu.memory_space<semaphore_mem>>) src(%arg6 : memref<128x128xf32, #tpu.memory_space<vmem>>) dst(%dma_wait3A_296 : memref<128x128xf32, #tpu.memory_space<hbm>>)
      tpu.yield
    }) : () -> ()
    %dma_wait3A_134 = arith.constant 7 : i32
    %dma_wait3A_135 = arith.constant 0 : i32
    %dma_wait3A_136 = tpu.memref_slice %arg5[%dma_wait3A_134, %dma_wait3A_135] : memref<16x128xi32, #tpu.memory_space<vmem>> -> memref<1x128xi32, #tpu.memory_space<vmem>>
    %dma_wait3A_137 = tpu.memref_squeeze %dma_wait3A_136 : memref<1x128xi32, #tpu.memory_space<vmem>> -> memref<128xi32, #tpu.memory_space<vmem>>
    %dma_wait3A_138 = arith.constant 0 : i32
    %dma_wait3A_139 = arith.constant 0 : i32
    %dma_wait3A_140 = tpu.memref_slice %arg2[%dma_wait3A_138, %dma_wait3A_139] : memref<16384x128xf32, #tpu.memory_space<hbm>> -> memref<16384x128xf32, #tpu.memory_space<hbm>>
    tpu.wait_indirect_dma semaphore(%arg9 : memref<!tpu.dma_semaphore, #tpu.memory_space<semaphore_mem>>) src(%dma_wait3A_140 : memref<16384x128xf32, #tpu.memory_space<hbm>>) dst(%arg7 : memref<128x128xf32, #tpu.memory_space<vmem>>)
    %dma_start3A_141 = arith.constant 8 : i32
    %dma_start3A_142 = arith.constant 0 : i32
    %dma_start3A_143 = tpu.memref_slice %arg5[%dma_start3A_141, %dma_start3A_142] : memref<16x128xi32, #tpu.memory_space<vmem>> -> memref<1x128xi32, #tpu.memory_space<vmem>>
    %dma_start3A_144 = tpu.memref_squeeze %dma_start3A_143 : memref<1x128xi32, #tpu.memory_space<vmem>> -> memref<128xi32, #tpu.memory_space<vmem>>
    %dma_start3A_145 = arith.constant 0 : i32
    %dma_start3A_146 = arith.constant 0 : i32
    %dma_start3A_147 = tpu.memref_slice %arg2[%dma_start3A_145, %dma_start3A_146] : memref<16384x128xf32, #tpu.memory_space<hbm>> -> memref<16384x128xf32, #tpu.memory_space<hbm>>
    tpu.enqueue_indirect_dma source(%dma_start3A_147 : memref<16384x128xf32, #tpu.memory_space<hbm>>) target(%arg6 : memref<128x128xf32, #tpu.memory_space<vmem>>) offsets(%dma_start3A_144 : memref<128xi32, #tpu.memory_space<vmem>>) semaphore(%arg8 : memref<!tpu.dma_semaphore, #tpu.memory_space<semaphore_mem>>)
    %mul3A_148 = arith.constant 2048 : i32
    %mul3A_149 = arith.muli %add3A, %mul3A_148 : i32
    %add3A_150 = arith.constant 896 : i32
    %add3A_151 = arith.addi %mul3A_149, %add3A_150 : i32
    "tpu.region"() ({
      %run_scoped3A = tpu.sem_alloc : memref<!tpu.dma_semaphore, #tpu.memory_space<semaphore_mem>>
      %dma_start3A_289 = arith.constant 0 : i32
      %dma_start3A_290 = tpu.memref_slice %arg4[%add3A_151, %dma_start3A_289] : memref<65536x128xf32, #tpu.memory_space<hbm>> -> memref<128x128xf32, #tpu.memory_space<hbm>>
      %dma_start3A_291 = arith.constant 0 : i32
      %dma_start3A_292 = tpu.memref_slice %arg4[%add3A_151, %dma_start3A_291] : memref<65536x128xf32, #tpu.memory_space<hbm>> -> memref<128x128xf32, #tpu.memory_space<hbm>>
      tpu.enqueue_dma source(%arg7 : memref<128x128xf32, #tpu.memory_space<vmem>>) target(%dma_start3A_292 : memref<128x128xf32, #tpu.memory_space<hbm>>) target_semaphore(%run_scoped3A : memref<!tpu.dma_semaphore, #tpu.memory_space<semaphore_mem>>)
      %dma_wait3A_293 = arith.constant 0 : i32
      %dma_wait3A_294 = tpu.memref_slice %arg4[%add3A_151, %dma_wait3A_293] : memref<65536x128xf32, #tpu.memory_space<hbm>> -> memref<128x128xf32, #tpu.memory_space<hbm>>
      %dma_wait3A_295 = arith.constant 0 : i32
      %dma_wait3A_296 = tpu.memref_slice %arg4[%add3A_151, %dma_wait3A_295] : memref<65536x128xf32, #tpu.memory_space<hbm>> -> memref<128x128xf32, #tpu.memory_space<hbm>>
      tpu.wait_dma2 semaphore(%run_scoped3A : memref<!tpu.dma_semaphore, #tpu.memory_space<semaphore_mem>>) src(%arg7 : memref<128x128xf32, #tpu.memory_space<vmem>>) dst(%dma_wait3A_296 : memref<128x128xf32, #tpu.memory_space<hbm>>)
      tpu.yield
    }) : () -> ()
    %dma_wait3A_152 = arith.constant 8 : i32
    %dma_wait3A_153 = arith.constant 0 : i32
    %dma_wait3A_154 = tpu.memref_slice %arg5[%dma_wait3A_152, %dma_wait3A_153] : memref<16x128xi32, #tpu.memory_space<vmem>> -> memref<1x128xi32, #tpu.memory_space<vmem>>
    %dma_wait3A_155 = tpu.memref_squeeze %dma_wait3A_154 : memref<1x128xi32, #tpu.memory_space<vmem>> -> memref<128xi32, #tpu.memory_space<vmem>>
    %dma_wait3A_156 = arith.constant 0 : i32
    %dma_wait3A_157 = arith.constant 0 : i32
    %dma_wait3A_158 = tpu.memref_slice %arg2[%dma_wait3A_156, %dma_wait3A_157] : memref<16384x128xf32, #tpu.memory_space<hbm>> -> memref<16384x128xf32, #tpu.memory_space<hbm>>
    tpu.wait_indirect_dma semaphore(%arg8 : memref<!tpu.dma_semaphore, #tpu.memory_space<semaphore_mem>>) src(%dma_wait3A_158 : memref<16384x128xf32, #tpu.memory_space<hbm>>) dst(%arg6 : memref<128x128xf32, #tpu.memory_space<vmem>>)
    %dma_start3A_159 = arith.constant 9 : i32
    %dma_start3A_160 = arith.constant 0 : i32
    %dma_start3A_161 = tpu.memref_slice %arg5[%dma_start3A_159, %dma_start3A_160] : memref<16x128xi32, #tpu.memory_space<vmem>> -> memref<1x128xi32, #tpu.memory_space<vmem>>
    %dma_start3A_162 = tpu.memref_squeeze %dma_start3A_161 : memref<1x128xi32, #tpu.memory_space<vmem>> -> memref<128xi32, #tpu.memory_space<vmem>>
    %dma_start3A_163 = arith.constant 0 : i32
    %dma_start3A_164 = arith.constant 0 : i32
    %dma_start3A_165 = tpu.memref_slice %arg2[%dma_start3A_163, %dma_start3A_164] : memref<16384x128xf32, #tpu.memory_space<hbm>> -> memref<16384x128xf32, #tpu.memory_space<hbm>>
    tpu.enqueue_indirect_dma source(%dma_start3A_165 : memref<16384x128xf32, #tpu.memory_space<hbm>>) target(%arg7 : memref<128x128xf32, #tpu.memory_space<vmem>>) offsets(%dma_start3A_162 : memref<128xi32, #tpu.memory_space<vmem>>) semaphore(%arg9 : memref<!tpu.dma_semaphore, #tpu.memory_space<semaphore_mem>>)
    %mul3A_166 = arith.constant 2048 : i32
    %mul3A_167 = arith.muli %add3A, %mul3A_166 : i32
    %add3A_168 = arith.constant 1024 : i32
    %add3A_169 = arith.addi %mul3A_167, %add3A_168 : i32
    "tpu.region"() ({
      %run_scoped3A = tpu.sem_alloc : memref<!tpu.dma_semaphore, #tpu.memory_space<semaphore_mem>>
      %dma_start3A_289 = arith.constant 0 : i32
      %dma_start3A_290 = tpu.memref_slice %arg4[%add3A_169, %dma_start3A_289] : memref<65536x128xf32, #tpu.memory_space<hbm>> -> memref<128x128xf32, #tpu.memory_space<hbm>>
      %dma_start3A_291 = arith.constant 0 : i32
      %dma_start3A_292 = tpu.memref_slice %arg4[%add3A_169, %dma_start3A_291] : memref<65536x128xf32, #tpu.memory_space<hbm>> -> memref<128x128xf32, #tpu.memory_space<hbm>>
      tpu.enqueue_dma source(%arg6 : memref<128x128xf32, #tpu.memory_space<vmem>>) target(%dma_start3A_292 : memref<128x128xf32, #tpu.memory_space<hbm>>) target_semaphore(%run_scoped3A : memref<!tpu.dma_semaphore, #tpu.memory_space<semaphore_mem>>)
      %dma_wait3A_293 = arith.constant 0 : i32
      %dma_wait3A_294 = tpu.memref_slice %arg4[%add3A_169, %dma_wait3A_293] : memref<65536x128xf32, #tpu.memory_space<hbm>> -> memref<128x128xf32, #tpu.memory_space<hbm>>
      %dma_wait3A_295 = arith.constant 0 : i32
      %dma_wait3A_296 = tpu.memref_slice %arg4[%add3A_169, %dma_wait3A_295] : memref<65536x128xf32, #tpu.memory_space<hbm>> -> memref<128x128xf32, #tpu.memory_space<hbm>>
      tpu.wait_dma2 semaphore(%run_scoped3A : memref<!tpu.dma_semaphore, #tpu.memory_space<semaphore_mem>>) src(%arg6 : memref<128x128xf32, #tpu.memory_space<vmem>>) dst(%dma_wait3A_296 : memref<128x128xf32, #tpu.memory_space<hbm>>)
      tpu.yield
    }) : () -> ()
    %dma_wait3A_170 = arith.constant 9 : i32
    %dma_wait3A_171 = arith.constant 0 : i32
    %dma_wait3A_172 = tpu.memref_slice %arg5[%dma_wait3A_170, %dma_wait3A_171] : memref<16x128xi32, #tpu.memory_space<vmem>> -> memref<1x128xi32, #tpu.memory_space<vmem>>
    %dma_wait3A_173 = tpu.memref_squeeze %dma_wait3A_172 : memref<1x128xi32, #tpu.memory_space<vmem>> -> memref<128xi32, #tpu.memory_space<vmem>>
    %dma_wait3A_174 = arith.constant 0 : i32
    %dma_wait3A_175 = arith.constant 0 : i32
    %dma_wait3A_176 = tpu.memref_slice %arg2[%dma_wait3A_174, %dma_wait3A_175] : memref<16384x128xf32, #tpu.memory_space<hbm>> -> memref<16384x128xf32, #tpu.memory_space<hbm>>
    tpu.wait_indirect_dma semaphore(%arg9 : memref<!tpu.dma_semaphore, #tpu.memory_space<semaphore_mem>>) src(%dma_wait3A_176 : memref<16384x128xf32, #tpu.memory_space<hbm>>) dst(%arg7 : memref<128x128xf32, #tpu.memory_space<vmem>>)
    %dma_start3A_177 = arith.constant 10 : i32
    %dma_start3A_178 = arith.constant 0 : i32
    %dma_start3A_179 = tpu.memref_slice %arg5[%dma_start3A_177, %dma_start3A_178] : memref<16x128xi32, #tpu.memory_space<vmem>> -> memref<1x128xi32, #tpu.memory_space<vmem>>
    %dma_start3A_180 = tpu.memref_squeeze %dma_start3A_179 : memref<1x128xi32, #tpu.memory_space<vmem>> -> memref<128xi32, #tpu.memory_space<vmem>>
    %dma_start3A_181 = arith.constant 0 : i32
    %dma_start3A_182 = arith.constant 0 : i32
    %dma_start3A_183 = tpu.memref_slice %arg2[%dma_start3A_181, %dma_start3A_182] : memref<16384x128xf32, #tpu.memory_space<hbm>> -> memref<16384x128xf32, #tpu.memory_space<hbm>>
    tpu.enqueue_indirect_dma source(%dma_start3A_183 : memref<16384x128xf32, #tpu.memory_space<hbm>>) target(%arg6 : memref<128x128xf32, #tpu.memory_space<vmem>>) offsets(%dma_start3A_180 : memref<128xi32, #tpu.memory_space<vmem>>) semaphore(%arg8 : memref<!tpu.dma_semaphore, #tpu.memory_space<semaphore_mem>>)
    %mul3A_184 = arith.constant 2048 : i32
    %mul3A_185 = arith.muli %add3A, %mul3A_184 : i32
    %add3A_186 = arith.constant 1152 : i32
    %add3A_187 = arith.addi %mul3A_185, %add3A_186 : i32
    "tpu.region"() ({
      %run_scoped3A = tpu.sem_alloc : memref<!tpu.dma_semaphore, #tpu.memory_space<semaphore_mem>>
      %dma_start3A_289 = arith.constant 0 : i32
      %dma_start3A_290 = tpu.memref_slice %arg4[%add3A_187, %dma_start3A_289] : memref<65536x128xf32, #tpu.memory_space<hbm>> -> memref<128x128xf32, #tpu.memory_space<hbm>>
      %dma_start3A_291 = arith.constant 0 : i32
      %dma_start3A_292 = tpu.memref_slice %arg4[%add3A_187, %dma_start3A_291] : memref<65536x128xf32, #tpu.memory_space<hbm>> -> memref<128x128xf32, #tpu.memory_space<hbm>>
      tpu.enqueue_dma source(%arg7 : memref<128x128xf32, #tpu.memory_space<vmem>>) target(%dma_start3A_292 : memref<128x128xf32, #tpu.memory_space<hbm>>) target_semaphore(%run_scoped3A : memref<!tpu.dma_semaphore, #tpu.memory_space<semaphore_mem>>)
      %dma_wait3A_293 = arith.constant 0 : i32
      %dma_wait3A_294 = tpu.memref_slice %arg4[%add3A_187, %dma_wait3A_293] : memref<65536x128xf32, #tpu.memory_space<hbm>> -> memref<128x128xf32, #tpu.memory_space<hbm>>
      %dma_wait3A_295 = arith.constant 0 : i32
      %dma_wait3A_296 = tpu.memref_slice %arg4[%add3A_187, %dma_wait3A_295] : memref<65536x128xf32, #tpu.memory_space<hbm>> -> memref<128x128xf32, #tpu.memory_space<hbm>>
      tpu.wait_dma2 semaphore(%run_scoped3A : memref<!tpu.dma_semaphore, #tpu.memory_space<semaphore_mem>>) src(%arg7 : memref<128x128xf32, #tpu.memory_space<vmem>>) dst(%dma_wait3A_296 : memref<128x128xf32, #tpu.memory_space<hbm>>)
      tpu.yield
    }) : () -> ()
    %dma_wait3A_188 = arith.constant 10 : i32
    %dma_wait3A_189 = arith.constant 0 : i32
    %dma_wait3A_190 = tpu.memref_slice %arg5[%dma_wait3A_188, %dma_wait3A_189] : memref<16x128xi32, #tpu.memory_space<vmem>> -> memref<1x128xi32, #tpu.memory_space<vmem>>
    %dma_wait3A_191 = tpu.memref_squeeze %dma_wait3A_190 : memref<1x128xi32, #tpu.memory_space<vmem>> -> memref<128xi32, #tpu.memory_space<vmem>>
    %dma_wait3A_192 = arith.constant 0 : i32
    %dma_wait3A_193 = arith.constant 0 : i32
    %dma_wait3A_194 = tpu.memref_slice %arg2[%dma_wait3A_192, %dma_wait3A_193] : memref<16384x128xf32, #tpu.memory_space<hbm>> -> memref<16384x128xf32, #tpu.memory_space<hbm>>
    tpu.wait_indirect_dma semaphore(%arg8 : memref<!tpu.dma_semaphore, #tpu.memory_space<semaphore_mem>>) src(%dma_wait3A_194 : memref<16384x128xf32, #tpu.memory_space<hbm>>) dst(%arg6 : memref<128x128xf32, #tpu.memory_space<vmem>>)
    %dma_start3A_195 = arith.constant 11 : i32
    %dma_start3A_196 = arith.constant 0 : i32
    %dma_start3A_197 = tpu.memref_slice %arg5[%dma_start3A_195, %dma_start3A_196] : memref<16x128xi32, #tpu.memory_space<vmem>> -> memref<1x128xi32, #tpu.memory_space<vmem>>
    %dma_start3A_198 = tpu.memref_squeeze %dma_start3A_197 : memref<1x128xi32, #tpu.memory_space<vmem>> -> memref<128xi32, #tpu.memory_space<vmem>>
    %dma_start3A_199 = arith.constant 0 : i32
    %dma_start3A_200 = arith.constant 0 : i32
    %dma_start3A_201 = tpu.memref_slice %arg2[%dma_start3A_199, %dma_start3A_200] : memref<16384x128xf32, #tpu.memory_space<hbm>> -> memref<16384x128xf32, #tpu.memory_space<hbm>>
    tpu.enqueue_indirect_dma source(%dma_start3A_201 : memref<16384x128xf32, #tpu.memory_space<hbm>>) target(%arg7 : memref<128x128xf32, #tpu.memory_space<vmem>>) offsets(%dma_start3A_198 : memref<128xi32, #tpu.memory_space<vmem>>) semaphore(%arg9 : memref<!tpu.dma_semaphore, #tpu.memory_space<semaphore_mem>>)
    %mul3A_202 = arith.constant 2048 : i32
    %mul3A_203 = arith.muli %add3A, %mul3A_202 : i32
    %add3A_204 = arith.constant 1280 : i32
    %add3A_205 = arith.addi %mul3A_203, %add3A_204 : i32
    "tpu.region"() ({
      %run_scoped3A = tpu.sem_alloc : memref<!tpu.dma_semaphore, #tpu.memory_space<semaphore_mem>>
      %dma_start3A_289 = arith.constant 0 : i32
      %dma_start3A_290 = tpu.memref_slice %arg4[%add3A_205, %dma_start3A_289] : memref<65536x128xf32, #tpu.memory_space<hbm>> -> memref<128x128xf32, #tpu.memory_space<hbm>>
      %dma_start3A_291 = arith.constant 0 : i32
      %dma_start3A_292 = tpu.memref_slice %arg4[%add3A_205, %dma_start3A_291] : memref<65536x128xf32, #tpu.memory_space<hbm>> -> memref<128x128xf32, #tpu.memory_space<hbm>>
      tpu.enqueue_dma source(%arg6 : memref<128x128xf32, #tpu.memory_space<vmem>>) target(%dma_start3A_292 : memref<128x128xf32, #tpu.memory_space<hbm>>) target_semaphore(%run_scoped3A : memref<!tpu.dma_semaphore, #tpu.memory_space<semaphore_mem>>)
      %dma_wait3A_293 = arith.constant 0 : i32
      %dma_wait3A_294 = tpu.memref_slice %arg4[%add3A_205, %dma_wait3A_293] : memref<65536x128xf32, #tpu.memory_space<hbm>> -> memref<128x128xf32, #tpu.memory_space<hbm>>
      %dma_wait3A_295 = arith.constant 0 : i32
      %dma_wait3A_296 = tpu.memref_slice %arg4[%add3A_205, %dma_wait3A_295] : memref<65536x128xf32, #tpu.memory_space<hbm>> -> memref<128x128xf32, #tpu.memory_space<hbm>>
      tpu.wait_dma2 semaphore(%run_scoped3A : memref<!tpu.dma_semaphore, #tpu.memory_space<semaphore_mem>>) src(%arg6 : memref<128x128xf32, #tpu.memory_space<vmem>>) dst(%dma_wait3A_296 : memref<128x128xf32, #tpu.memory_space<hbm>>)
      tpu.yield
    }) : () -> ()
    %dma_wait3A_206 = arith.constant 11 : i32
    %dma_wait3A_207 = arith.constant 0 : i32
    %dma_wait3A_208 = tpu.memref_slice %arg5[%dma_wait3A_206, %dma_wait3A_207] : memref<16x128xi32, #tpu.memory_space<vmem>> -> memref<1x128xi32, #tpu.memory_space<vmem>>
    %dma_wait3A_209 = tpu.memref_squeeze %dma_wait3A_208 : memref<1x128xi32, #tpu.memory_space<vmem>> -> memref<128xi32, #tpu.memory_space<vmem>>
    %dma_wait3A_210 = arith.constant 0 : i32
    %dma_wait3A_211 = arith.constant 0 : i32
    %dma_wait3A_212 = tpu.memref_slice %arg2[%dma_wait3A_210, %dma_wait3A_211] : memref<16384x128xf32, #tpu.memory_space<hbm>> -> memref<16384x128xf32, #tpu.memory_space<hbm>>
    tpu.wait_indirect_dma semaphore(%arg9 : memref<!tpu.dma_semaphore, #tpu.memory_space<semaphore_mem>>) src(%dma_wait3A_212 : memref<16384x128xf32, #tpu.memory_space<hbm>>) dst(%arg7 : memref<128x128xf32, #tpu.memory_space<vmem>>)
    %dma_start3A_213 = arith.constant 12 : i32
    %dma_start3A_214 = arith.constant 0 : i32
    %dma_start3A_215 = tpu.memref_slice %arg5[%dma_start3A_213, %dma_start3A_214] : memref<16x128xi32, #tpu.memory_space<vmem>> -> memref<1x128xi32, #tpu.memory_space<vmem>>
    %dma_start3A_216 = tpu.memref_squeeze %dma_start3A_215 : memref<1x128xi32, #tpu.memory_space<vmem>> -> memref<128xi32, #tpu.memory_space<vmem>>
    %dma_start3A_217 = arith.constant 0 : i32
    %dma_start3A_218 = arith.constant 0 : i32
    %dma_start3A_219 = tpu.memref_slice %arg2[%dma_start3A_217, %dma_start3A_218] : memref<16384x128xf32, #tpu.memory_space<hbm>> -> memref<16384x128xf32, #tpu.memory_space<hbm>>
    tpu.enqueue_indirect_dma source(%dma_start3A_219 : memref<16384x128xf32, #tpu.memory_space<hbm>>) target(%arg6 : memref<128x128xf32, #tpu.memory_space<vmem>>) offsets(%dma_start3A_216 : memref<128xi32, #tpu.memory_space<vmem>>) semaphore(%arg8 : memref<!tpu.dma_semaphore, #tpu.memory_space<semaphore_mem>>)
    %mul3A_220 = arith.constant 2048 : i32
    %mul3A_221 = arith.muli %add3A, %mul3A_220 : i32
    %add3A_222 = arith.constant 1408 : i32
    %add3A_223 = arith.addi %mul3A_221, %add3A_222 : i32
    "tpu.region"() ({
      %run_scoped3A = tpu.sem_alloc : memref<!tpu.dma_semaphore, #tpu.memory_space<semaphore_mem>>
      %dma_start3A_289 = arith.constant 0 : i32
      %dma_start3A_290 = tpu.memref_slice %arg4[%add3A_223, %dma_start3A_289] : memref<65536x128xf32, #tpu.memory_space<hbm>> -> memref<128x128xf32, #tpu.memory_space<hbm>>
      %dma_start3A_291 = arith.constant 0 : i32
      %dma_start3A_292 = tpu.memref_slice %arg4[%add3A_223, %dma_start3A_291] : memref<65536x128xf32, #tpu.memory_space<hbm>> -> memref<128x128xf32, #tpu.memory_space<hbm>>
      tpu.enqueue_dma source(%arg7 : memref<128x128xf32, #tpu.memory_space<vmem>>) target(%dma_start3A_292 : memref<128x128xf32, #tpu.memory_space<hbm>>) target_semaphore(%run_scoped3A : memref<!tpu.dma_semaphore, #tpu.memory_space<semaphore_mem>>)
      %dma_wait3A_293 = arith.constant 0 : i32
      %dma_wait3A_294 = tpu.memref_slice %arg4[%add3A_223, %dma_wait3A_293] : memref<65536x128xf32, #tpu.memory_space<hbm>> -> memref<128x128xf32, #tpu.memory_space<hbm>>
      %dma_wait3A_295 = arith.constant 0 : i32
      %dma_wait3A_296 = tpu.memref_slice %arg4[%add3A_223, %dma_wait3A_295] : memref<65536x128xf32, #tpu.memory_space<hbm>> -> memref<128x128xf32, #tpu.memory_space<hbm>>
      tpu.wait_dma2 semaphore(%run_scoped3A : memref<!tpu.dma_semaphore, #tpu.memory_space<semaphore_mem>>) src(%arg7 : memref<128x128xf32, #tpu.memory_space<vmem>>) dst(%dma_wait3A_296 : memref<128x128xf32, #tpu.memory_space<hbm>>)
      tpu.yield
    }) : () -> ()
    %dma_wait3A_224 = arith.constant 12 : i32
    %dma_wait3A_225 = arith.constant 0 : i32
    %dma_wait3A_226 = tpu.memref_slice %arg5[%dma_wait3A_224, %dma_wait3A_225] : memref<16x128xi32, #tpu.memory_space<vmem>> -> memref<1x128xi32, #tpu.memory_space<vmem>>
    %dma_wait3A_227 = tpu.memref_squeeze %dma_wait3A_226 : memref<1x128xi32, #tpu.memory_space<vmem>> -> memref<128xi32, #tpu.memory_space<vmem>>
    %dma_wait3A_228 = arith.constant 0 : i32
    %dma_wait3A_229 = arith.constant 0 : i32
    %dma_wait3A_230 = tpu.memref_slice %arg2[%dma_wait3A_228, %dma_wait3A_229] : memref<16384x128xf32, #tpu.memory_space<hbm>> -> memref<16384x128xf32, #tpu.memory_space<hbm>>
    tpu.wait_indirect_dma semaphore(%arg8 : memref<!tpu.dma_semaphore, #tpu.memory_space<semaphore_mem>>) src(%dma_wait3A_230 : memref<16384x128xf32, #tpu.memory_space<hbm>>) dst(%arg6 : memref<128x128xf32, #tpu.memory_space<vmem>>)
    %dma_start3A_231 = arith.constant 13 : i32
    %dma_start3A_232 = arith.constant 0 : i32
    %dma_start3A_233 = tpu.memref_slice %arg5[%dma_start3A_231, %dma_start3A_232] : memref<16x128xi32, #tpu.memory_space<vmem>> -> memref<1x128xi32, #tpu.memory_space<vmem>>
    %dma_start3A_234 = tpu.memref_squeeze %dma_start3A_233 : memref<1x128xi32, #tpu.memory_space<vmem>> -> memref<128xi32, #tpu.memory_space<vmem>>
    %dma_start3A_235 = arith.constant 0 : i32
    %dma_start3A_236 = arith.constant 0 : i32
    %dma_start3A_237 = tpu.memref_slice %arg2[%dma_start3A_235, %dma_start3A_236] : memref<16384x128xf32, #tpu.memory_space<hbm>> -> memref<16384x128xf32, #tpu.memory_space<hbm>>
    tpu.enqueue_indirect_dma source(%dma_start3A_237 : memref<16384x128xf32, #tpu.memory_space<hbm>>) target(%arg7 : memref<128x128xf32, #tpu.memory_space<vmem>>) offsets(%dma_start3A_234 : memref<128xi32, #tpu.memory_space<vmem>>) semaphore(%arg9 : memref<!tpu.dma_semaphore, #tpu.memory_space<semaphore_mem>>)
    %mul3A_238 = arith.constant 2048 : i32
    %mul3A_239 = arith.muli %add3A, %mul3A_238 : i32
    %add3A_240 = arith.constant 1536 : i32
    %add3A_241 = arith.addi %mul3A_239, %add3A_240 : i32
    "tpu.region"() ({
      %run_scoped3A = tpu.sem_alloc : memref<!tpu.dma_semaphore, #tpu.memory_space<semaphore_mem>>
      %dma_start3A_289 = arith.constant 0 : i32
      %dma_start3A_290 = tpu.memref_slice %arg4[%add3A_241, %dma_start3A_289] : memref<65536x128xf32, #tpu.memory_space<hbm>> -> memref<128x128xf32, #tpu.memory_space<hbm>>
      %dma_start3A_291 = arith.constant 0 : i32
      %dma_start3A_292 = tpu.memref_slice %arg4[%add3A_241, %dma_start3A_291] : memref<65536x128xf32, #tpu.memory_space<hbm>> -> memref<128x128xf32, #tpu.memory_space<hbm>>
      tpu.enqueue_dma source(%arg6 : memref<128x128xf32, #tpu.memory_space<vmem>>) target(%dma_start3A_292 : memref<128x128xf32, #tpu.memory_space<hbm>>) target_semaphore(%run_scoped3A : memref<!tpu.dma_semaphore, #tpu.memory_space<semaphore_mem>>)
      %dma_wait3A_293 = arith.constant 0 : i32
      %dma_wait3A_294 = tpu.memref_slice %arg4[%add3A_241, %dma_wait3A_293] : memref<65536x128xf32, #tpu.memory_space<hbm>> -> memref<128x128xf32, #tpu.memory_space<hbm>>
      %dma_wait3A_295 = arith.constant 0 : i32
      %dma_wait3A_296 = tpu.memref_slice %arg4[%add3A_241, %dma_wait3A_295] : memref<65536x128xf32, #tpu.memory_space<hbm>> -> memref<128x128xf32, #tpu.memory_space<hbm>>
      tpu.wait_dma2 semaphore(%run_scoped3A : memref<!tpu.dma_semaphore, #tpu.memory_space<semaphore_mem>>) src(%arg6 : memref<128x128xf32, #tpu.memory_space<vmem>>) dst(%dma_wait3A_296 : memref<128x128xf32, #tpu.memory_space<hbm>>)
      tpu.yield
    }) : () -> ()
    %dma_wait3A_242 = arith.constant 13 : i32
    %dma_wait3A_243 = arith.constant 0 : i32
    %dma_wait3A_244 = tpu.memref_slice %arg5[%dma_wait3A_242, %dma_wait3A_243] : memref<16x128xi32, #tpu.memory_space<vmem>> -> memref<1x128xi32, #tpu.memory_space<vmem>>
    %dma_wait3A_245 = tpu.memref_squeeze %dma_wait3A_244 : memref<1x128xi32, #tpu.memory_space<vmem>> -> memref<128xi32, #tpu.memory_space<vmem>>
    %dma_wait3A_246 = arith.constant 0 : i32
    %dma_wait3A_247 = arith.constant 0 : i32
    %dma_wait3A_248 = tpu.memref_slice %arg2[%dma_wait3A_246, %dma_wait3A_247] : memref<16384x128xf32, #tpu.memory_space<hbm>> -> memref<16384x128xf32, #tpu.memory_space<hbm>>
    tpu.wait_indirect_dma semaphore(%arg9 : memref<!tpu.dma_semaphore, #tpu.memory_space<semaphore_mem>>) src(%dma_wait3A_248 : memref<16384x128xf32, #tpu.memory_space<hbm>>) dst(%arg7 : memref<128x128xf32, #tpu.memory_space<vmem>>)
    %dma_start3A_249 = arith.constant 14 : i32
    %dma_start3A_250 = arith.constant 0 : i32
    %dma_start3A_251 = tpu.memref_slice %arg5[%dma_start3A_249, %dma_start3A_250] : memref<16x128xi32, #tpu.memory_space<vmem>> -> memref<1x128xi32, #tpu.memory_space<vmem>>
    %dma_start3A_252 = tpu.memref_squeeze %dma_start3A_251 : memref<1x128xi32, #tpu.memory_space<vmem>> -> memref<128xi32, #tpu.memory_space<vmem>>
    %dma_start3A_253 = arith.constant 0 : i32
    %dma_start3A_254 = arith.constant 0 : i32
    %dma_start3A_255 = tpu.memref_slice %arg2[%dma_start3A_253, %dma_start3A_254] : memref<16384x128xf32, #tpu.memory_space<hbm>> -> memref<16384x128xf32, #tpu.memory_space<hbm>>
    tpu.enqueue_indirect_dma source(%dma_start3A_255 : memref<16384x128xf32, #tpu.memory_space<hbm>>) target(%arg6 : memref<128x128xf32, #tpu.memory_space<vmem>>) offsets(%dma_start3A_252 : memref<128xi32, #tpu.memory_space<vmem>>) semaphore(%arg8 : memref<!tpu.dma_semaphore, #tpu.memory_space<semaphore_mem>>)
    %mul3A_256 = arith.constant 2048 : i32
    %mul3A_257 = arith.muli %add3A, %mul3A_256 : i32
    %add3A_258 = arith.constant 1664 : i32
    %add3A_259 = arith.addi %mul3A_257, %add3A_258 : i32
    "tpu.region"() ({
      %run_scoped3A = tpu.sem_alloc : memref<!tpu.dma_semaphore, #tpu.memory_space<semaphore_mem>>
      %dma_start3A_289 = arith.constant 0 : i32
      %dma_start3A_290 = tpu.memref_slice %arg4[%add3A_259, %dma_start3A_289] : memref<65536x128xf32, #tpu.memory_space<hbm>> -> memref<128x128xf32, #tpu.memory_space<hbm>>
      %dma_start3A_291 = arith.constant 0 : i32
      %dma_start3A_292 = tpu.memref_slice %arg4[%add3A_259, %dma_start3A_291] : memref<65536x128xf32, #tpu.memory_space<hbm>> -> memref<128x128xf32, #tpu.memory_space<hbm>>
      tpu.enqueue_dma source(%arg7 : memref<128x128xf32, #tpu.memory_space<vmem>>) target(%dma_start3A_292 : memref<128x128xf32, #tpu.memory_space<hbm>>) target_semaphore(%run_scoped3A : memref<!tpu.dma_semaphore, #tpu.memory_space<semaphore_mem>>)
      %dma_wait3A_293 = arith.constant 0 : i32
      %dma_wait3A_294 = tpu.memref_slice %arg4[%add3A_259, %dma_wait3A_293] : memref<65536x128xf32, #tpu.memory_space<hbm>> -> memref<128x128xf32, #tpu.memory_space<hbm>>
      %dma_wait3A_295 = arith.constant 0 : i32
      %dma_wait3A_296 = tpu.memref_slice %arg4[%add3A_259, %dma_wait3A_295] : memref<65536x128xf32, #tpu.memory_space<hbm>> -> memref<128x128xf32, #tpu.memory_space<hbm>>
      tpu.wait_dma2 semaphore(%run_scoped3A : memref<!tpu.dma_semaphore, #tpu.memory_space<semaphore_mem>>) src(%arg7 : memref<128x128xf32, #tpu.memory_space<vmem>>) dst(%dma_wait3A_296 : memref<128x128xf32, #tpu.memory_space<hbm>>)
      tpu.yield
    }) : () -> ()
    %dma_wait3A_260 = arith.constant 14 : i32
    %dma_wait3A_261 = arith.constant 0 : i32
    %dma_wait3A_262 = tpu.memref_slice %arg5[%dma_wait3A_260, %dma_wait3A_261] : memref<16x128xi32, #tpu.memory_space<vmem>> -> memref<1x128xi32, #tpu.memory_space<vmem>>
    %dma_wait3A_263 = tpu.memref_squeeze %dma_wait3A_262 : memref<1x128xi32, #tpu.memory_space<vmem>> -> memref<128xi32, #tpu.memory_space<vmem>>
    %dma_wait3A_264 = arith.constant 0 : i32
    %dma_wait3A_265 = arith.constant 0 : i32
    %dma_wait3A_266 = tpu.memref_slice %arg2[%dma_wait3A_264, %dma_wait3A_265] : memref<16384x128xf32, #tpu.memory_space<hbm>> -> memref<16384x128xf32, #tpu.memory_space<hbm>>
    tpu.wait_indirect_dma semaphore(%arg8 : memref<!tpu.dma_semaphore, #tpu.memory_space<semaphore_mem>>) src(%dma_wait3A_266 : memref<16384x128xf32, #tpu.memory_space<hbm>>) dst(%arg6 : memref<128x128xf32, #tpu.memory_space<vmem>>)
    %dma_start3A_267 = arith.constant 15 : i32
    %dma_start3A_268 = arith.constant 0 : i32
    %dma_start3A_269 = tpu.memref_slice %arg5[%dma_start3A_267, %dma_start3A_268] : memref<16x128xi32, #tpu.memory_space<vmem>> -> memref<1x128xi32, #tpu.memory_space<vmem>>
    %dma_start3A_270 = tpu.memref_squeeze %dma_start3A_269 : memref<1x128xi32, #tpu.memory_space<vmem>> -> memref<128xi32, #tpu.memory_space<vmem>>
    %dma_start3A_271 = arith.constant 0 : i32
    %dma_start3A_272 = arith.constant 0 : i32
    %dma_start3A_273 = tpu.memref_slice %arg2[%dma_start3A_271, %dma_start3A_272] : memref<16384x128xf32, #tpu.memory_space<hbm>> -> memref<16384x128xf32, #tpu.memory_space<hbm>>
    tpu.enqueue_indirect_dma source(%dma_start3A_273 : memref<16384x128xf32, #tpu.memory_space<hbm>>) target(%arg7 : memref<128x128xf32, #tpu.memory_space<vmem>>) offsets(%dma_start3A_270 : memref<128xi32, #tpu.memory_space<vmem>>) semaphore(%arg9 : memref<!tpu.dma_semaphore, #tpu.memory_space<semaphore_mem>>)
    %mul3A_274 = arith.constant 2048 : i32
    %mul3A_275 = arith.muli %add3A, %mul3A_274 : i32
    %add3A_276 = arith.constant 1792 : i32
    %add3A_277 = arith.addi %mul3A_275, %add3A_276 : i32
    "tpu.region"() ({
      %run_scoped3A = tpu.sem_alloc : memref<!tpu.dma_semaphore, #tpu.memory_space<semaphore_mem>>
      %dma_start3A_289 = arith.constant 0 : i32
      %dma_start3A_290 = tpu.memref_slice %arg4[%add3A_277, %dma_start3A_289] : memref<65536x128xf32, #tpu.memory_space<hbm>> -> memref<128x128xf32, #tpu.memory_space<hbm>>
      %dma_start3A_291 = arith.constant 0 : i32
      %dma_start3A_292 = tpu.memref_slice %arg4[%add3A_277, %dma_start3A_291] : memref<65536x128xf32, #tpu.memory_space<hbm>> -> memref<128x128xf32, #tpu.memory_space<hbm>>
      tpu.enqueue_dma source(%arg6 : memref<128x128xf32, #tpu.memory_space<vmem>>) target(%dma_start3A_292 : memref<128x128xf32, #tpu.memory_space<hbm>>) target_semaphore(%run_scoped3A : memref<!tpu.dma_semaphore, #tpu.memory_space<semaphore_mem>>)
      %dma_wait3A_293 = arith.constant 0 : i32
      %dma_wait3A_294 = tpu.memref_slice %arg4[%add3A_277, %dma_wait3A_293] : memref<65536x128xf32, #tpu.memory_space<hbm>> -> memref<128x128xf32, #tpu.memory_space<hbm>>
      %dma_wait3A_295 = arith.constant 0 : i32
      %dma_wait3A_296 = tpu.memref_slice %arg4[%add3A_277, %dma_wait3A_295] : memref<65536x128xf32, #tpu.memory_space<hbm>> -> memref<128x128xf32, #tpu.memory_space<hbm>>
      tpu.wait_dma2 semaphore(%run_scoped3A : memref<!tpu.dma_semaphore, #tpu.memory_space<semaphore_mem>>) src(%arg6 : memref<128x128xf32, #tpu.memory_space<vmem>>) dst(%dma_wait3A_296 : memref<128x128xf32, #tpu.memory_space<hbm>>)
      tpu.yield
    }) : () -> ()
    %dma_wait3A_278 = arith.constant 15 : i32
    %dma_wait3A_279 = arith.constant 0 : i32
    %dma_wait3A_280 = tpu.memref_slice %arg5[%dma_wait3A_278, %dma_wait3A_279] : memref<16x128xi32, #tpu.memory_space<vmem>> -> memref<1x128xi32, #tpu.memory_space<vmem>>
    %dma_wait3A_281 = tpu.memref_squeeze %dma_wait3A_280 : memref<1x128xi32, #tpu.memory_space<vmem>> -> memref<128xi32, #tpu.memory_space<vmem>>
    %dma_wait3A_282 = arith.constant 0 : i32
    %dma_wait3A_283 = arith.constant 0 : i32
    %dma_wait3A_284 = tpu.memref_slice %arg2[%dma_wait3A_282, %dma_wait3A_283] : memref<16384x128xf32, #tpu.memory_space<hbm>> -> memref<16384x128xf32, #tpu.memory_space<hbm>>
    tpu.wait_indirect_dma semaphore(%arg9 : memref<!tpu.dma_semaphore, #tpu.memory_space<semaphore_mem>>) src(%dma_wait3A_284 : memref<16384x128xf32, #tpu.memory_space<hbm>>) dst(%arg7 : memref<128x128xf32, #tpu.memory_space<vmem>>)
    %mul3A_285 = arith.constant 2048 : i32
    %mul3A_286 = arith.muli %add3A, %mul3A_285 : i32
    %add3A_287 = arith.constant 1920 : i32
    %add3A_288 = arith.addi %mul3A_286, %add3A_287 : i32
    "tpu.region"() ({
      %run_scoped3A = tpu.sem_alloc : memref<!tpu.dma_semaphore, #tpu.memory_space<semaphore_mem>>
      %dma_start3A_289 = arith.constant 0 : i32
      %dma_start3A_290 = tpu.memref_slice %arg4[%add3A_288, %dma_start3A_289] : memref<65536x128xf32, #tpu.memory_space<hbm>> -> memref<128x128xf32, #tpu.memory_space<hbm>>
      %dma_start3A_291 = arith.constant 0 : i32
      %dma_start3A_292 = tpu.memref_slice %arg4[%add3A_288, %dma_start3A_291] : memref<65536x128xf32, #tpu.memory_space<hbm>> -> memref<128x128xf32, #tpu.memory_space<hbm>>
      tpu.enqueue_dma source(%arg7 : memref<128x128xf32, #tpu.memory_space<vmem>>) target(%dma_start3A_292 : memref<128x128xf32, #tpu.memory_space<hbm>>) target_semaphore(%run_scoped3A : memref<!tpu.dma_semaphore, #tpu.memory_space<semaphore_mem>>)
      %dma_wait3A_293 = arith.constant 0 : i32
      %dma_wait3A_294 = tpu.memref_slice %arg4[%add3A_288, %dma_wait3A_293] : memref<65536x128xf32, #tpu.memory_space<hbm>> -> memref<128x128xf32, #tpu.memory_space<hbm>>
      %dma_wait3A_295 = arith.constant 0 : i32
      %dma_wait3A_296 = tpu.memref_slice %arg4[%add3A_288, %dma_wait3A_295] : memref<65536x128xf32, #tpu.memory_space<hbm>> -> memref<128x128xf32, #tpu.memory_space<hbm>>
      tpu.wait_dma2 semaphore(%run_scoped3A : memref<!tpu.dma_semaphore, #tpu.memory_space<semaphore_mem>>) src(%arg7 : memref<128x128xf32, #tpu.memory_space<vmem>>) dst(%dma_wait3A_296 : memref<128x128xf32, #tpu.memory_space<hbm>>)
      tpu.yield
    }) : () -> ()
    return
  }
}

module attributes {stable_mosaic.version = 14 : i64} {
  func.func @_knn_body(%arg0: i32, %arg1: i32, %arg2: memref<1x3x128xf32, #tpu.memory_space<vmem>>, %arg3: memref<1x3x8192xf32, #tpu.memory_space<vmem>>, %arg4: memref<1x128x16xi32, #tpu.memory_space<vmem>>) attributes {dimension_semantics = [#tpu.dimension_semantics<arbitrary>, #tpu.dimension_semantics<arbitrary>], iteration_bounds = array<i64: 2, 16>, scalar_prefetch = 0 : i64, scratch_operands = 0 : i64, tpu.core_type = #tpu.core_type<tc>, window_params = [{transform_indices = @transform_0, window_bounds = array<i64: 1, 3, 128>}, {transform_indices = @transform_1, window_bounds = array<i64: 1, 3, 8192>}, {transform_indices = @transform_2, window_bounds = array<i64: 1, 128, 16>}]} {
    %get3A = arith.constant 0 : index
    %get3A_0 = arith.constant 0 : index
    %get3A_1 = arith.constant 0 : index
    %get3A_2 = vector.load %arg2[%get3A, %get3A_0, %get3A_1] : memref<1x3x128xf32, #tpu.memory_space<vmem>>, vector<1x3x128xf32>
    %get3A_3 = vector.shape_cast %get3A_2 : vector<1x3x128xf32> to vector<3x128xf32>
    %get3A_4 = arith.constant 0 : index
    %get3A_5 = arith.constant 0 : index
    %get3A_6 = arith.constant 0 : index
    %get3A_7 = vector.load %arg3[%get3A_4, %get3A_5, %get3A_6] : memref<1x3x8192xf32, #tpu.memory_space<vmem>>, vector<1x3x8192xf32>
    %get3A_8 = vector.shape_cast %get3A_7 : vector<1x3x8192xf32> to vector<3x8192xf32>
    %dot_general3A = arith.constant dense<0.000000e+00> : vector<128x8192xf32>
    %dot_general3A_9 = tpu.matmul %get3A_3, %get3A_8, %dot_general3A {dimension_numbers = #tpu.dot_dimension_numbers<[0], [0], [1], [1], [0, 1, 1, 1], [], []>, transpose_lhs_hint = false} : vector<3x128xf32>, vector<3x8192xf32>, vector<128x8192xf32> -> vector<128x8192xf32>
    %mul3A = arith.constant -2.000000e+00 : f32
    %mul3A_10 = vector.broadcast %mul3A : f32 to vector<128x8192xf32>
    %mul3A_11 = arith.mulf %mul3A_10, %dot_general3A_9 : vector<128x8192xf32>
    %mul3A_12 = arith.mulf %get3A_3, %get3A_3 : vector<3x128xf32>
    %broadcast_in_dim3A = arith.constant 1.000000e+00 : f32
    %broadcast_in_dim3A_13 = vector.broadcast %broadcast_in_dim3A : f32 to vector<3x1xf32>
    %dot_general3A_14 = arith.constant dense<0.000000e+00> : vector<128x1xf32>
    %dot_general3A_15 = tpu.matmul %mul3A_12, %broadcast_in_dim3A_13, %dot_general3A_14 {dimension_numbers = #tpu.dot_dimension_numbers<[0], [0], [1], [1], [0, 1, 1, 1], [], []>, transpose_lhs_hint = false} : vector<3x128xf32>, vector<3x1xf32>, vector<128x1xf32> -> vector<128x1xf32>
    %add3A = vector.broadcast %dot_general3A_15 : vector<128x1xf32> to vector<128x8192xf32>
    %add3A_16 = arith.addf %mul3A_11, %add3A : vector<128x8192xf32>
    %mul3A_17 = arith.mulf %get3A_8, %get3A_8 : vector<3x8192xf32>
    %reduce_sum3A = arith.constant dense<0.000000e+00> : vector<8192xf32>
    %reduce_sum3A_18 = vector.multi_reduction <add>, %mul3A_17, %reduce_sum3A [0] : vector<3x8192xf32> to vector<8192xf32>
    %broadcast_in_dim3A_19 = vector.shape_cast %reduce_sum3A_18 : vector<8192xf32> to vector<1x8192xf32>
    %add3A_20 = vector.broadcast %broadcast_in_dim3A_19 : vector<1x8192xf32> to vector<128x8192xf32>
    %add3A_21 = arith.addf %add3A_16, %add3A_20 : vector<128x8192xf32>
    %iota3A = tpu.iota {dimensions = array<i32: 1>} : vector<128x8192xi32>
    %iota3A_22 = tpu.iota {dimensions = array<i32: 1>} : vector<128x16xi32>
    %broadcast_in_dim3A_23 = arith.constant 0 : i32
    %broadcast_in_dim3A_24 = vector.broadcast %broadcast_in_dim3A_23 : i32 to vector<128x16xi32>
    %reduce_min3A = arith.constant dense<0x7F800000> : vector<128xf32>
    %reduce_min3A_25 = vector.multi_reduction <minimumf>, %add3A_21, %reduce_min3A [1] : vector<128x8192xf32> to vector<128xf32>
    %broadcast_in_dim3A_26 = vector.shape_cast %reduce_min3A_25 : vector<128xf32> to vector<128x1xf32>
    %eq3A = vector.broadcast %broadcast_in_dim3A_26 : vector<128x1xf32> to vector<128x8192xf32>
    %eq3A_27 = arith.cmpf oeq, %add3A_21, %eq3A : vector<128x8192xf32>
    %jit3A = arith.constant 2147483647 : i32
    %broadcast_in_dim3A_28 = vector.broadcast %jit3A : i32 to vector<128x8192xi32>
    %select_n3A = arith.select %eq3A_27, %iota3A, %broadcast_in_dim3A_28 : vector<128x8192xi1>, vector<128x8192xi32>
    %reduce_min3A_29 = arith.constant dense<2147483647> : vector<128xi32>
    %reduce_min3A_30 = vector.multi_reduction <minsi>, %select_n3A, %reduce_min3A_29 [1] : vector<128x8192xi32> to vector<128xi32>
    %broadcast_in_dim3A_31 = vector.shape_cast %reduce_min3A_30 : vector<128xi32> to vector<128x1xi32>
    %eq3A_32 = arith.constant 0 : i32
    %eq3A_33 = vector.broadcast %eq3A_32 : i32 to vector<128x16xi32>
    %eq3A_34 = arith.cmpi eq, %iota3A_22, %eq3A_33 : vector<128x16xi32>
    %broadcast_in_dim3A_35 = vector.shape_cast %broadcast_in_dim3A_31 : vector<128x1xi32> to vector<128x1xi32>
    %broadcast_in_dim3A_36 = vector.broadcast %broadcast_in_dim3A_35 : vector<128x1xi32> to vector<128x16xi32>
    %select_n3A_37 = arith.select %eq3A_34, %broadcast_in_dim3A_36, %broadcast_in_dim3A_24 : vector<128x16xi1>, vector<128x16xi32>
    %eq3A_38 = vector.broadcast %broadcast_in_dim3A_31 : vector<128x1xi32> to vector<128x8192xi32>
    %eq3A_39 = arith.cmpi eq, %iota3A, %eq3A_38 : vector<128x8192xi32>
    %jit3A_40 = arith.constant 0x7F800000 : f32
    %broadcast_in_dim3A_41 = vector.broadcast %jit3A_40 : f32 to vector<128x8192xf32>
    %select_n3A_42 = arith.select %eq3A_39, %broadcast_in_dim3A_41, %add3A_21 : vector<128x8192xi1>, vector<128x8192xf32>
    %reduce_min3A_43 = arith.constant dense<0x7F800000> : vector<128xf32>
    %reduce_min3A_44 = vector.multi_reduction <minimumf>, %select_n3A_42, %reduce_min3A_43 [1] : vector<128x8192xf32> to vector<128xf32>
    %broadcast_in_dim3A_45 = vector.shape_cast %reduce_min3A_44 : vector<128xf32> to vector<128x1xf32>
    %eq3A_46 = vector.broadcast %broadcast_in_dim3A_45 : vector<128x1xf32> to vector<128x8192xf32>
    %eq3A_47 = arith.cmpf oeq, %select_n3A_42, %eq3A_46 : vector<128x8192xf32>
    %jit3A_48 = arith.constant 2147483647 : i32
    %broadcast_in_dim3A_49 = vector.broadcast %jit3A_48 : i32 to vector<128x8192xi32>
    %select_n3A_50 = arith.select %eq3A_47, %iota3A, %broadcast_in_dim3A_49 : vector<128x8192xi1>, vector<128x8192xi32>
    %reduce_min3A_51 = arith.constant dense<2147483647> : vector<128xi32>
    %reduce_min3A_52 = vector.multi_reduction <minsi>, %select_n3A_50, %reduce_min3A_51 [1] : vector<128x8192xi32> to vector<128xi32>
    %broadcast_in_dim3A_53 = vector.shape_cast %reduce_min3A_52 : vector<128xi32> to vector<128x1xi32>
    %eq3A_54 = arith.constant 1 : i32
    %eq3A_55 = vector.broadcast %eq3A_54 : i32 to vector<128x16xi32>
    %eq3A_56 = arith.cmpi eq, %iota3A_22, %eq3A_55 : vector<128x16xi32>
    %broadcast_in_dim3A_57 = vector.shape_cast %broadcast_in_dim3A_53 : vector<128x1xi32> to vector<128x1xi32>
    %broadcast_in_dim3A_58 = vector.broadcast %broadcast_in_dim3A_57 : vector<128x1xi32> to vector<128x16xi32>
    %select_n3A_59 = arith.select %eq3A_56, %broadcast_in_dim3A_58, %select_n3A_37 : vector<128x16xi1>, vector<128x16xi32>
    %eq3A_60 = vector.broadcast %broadcast_in_dim3A_53 : vector<128x1xi32> to vector<128x8192xi32>
    %eq3A_61 = arith.cmpi eq, %iota3A, %eq3A_60 : vector<128x8192xi32>
    %jit3A_62 = arith.constant 0x7F800000 : f32
    %broadcast_in_dim3A_63 = vector.broadcast %jit3A_62 : f32 to vector<128x8192xf32>
    %select_n3A_64 = arith.select %eq3A_61, %broadcast_in_dim3A_63, %select_n3A_42 : vector<128x8192xi1>, vector<128x8192xf32>
    %reduce_min3A_65 = arith.constant dense<0x7F800000> : vector<128xf32>
    %reduce_min3A_66 = vector.multi_reduction <minimumf>, %select_n3A_64, %reduce_min3A_65 [1] : vector<128x8192xf32> to vector<128xf32>
    %broadcast_in_dim3A_67 = vector.shape_cast %reduce_min3A_66 : vector<128xf32> to vector<128x1xf32>
    %eq3A_68 = vector.broadcast %broadcast_in_dim3A_67 : vector<128x1xf32> to vector<128x8192xf32>
    %eq3A_69 = arith.cmpf oeq, %select_n3A_64, %eq3A_68 : vector<128x8192xf32>
    %jit3A_70 = arith.constant 2147483647 : i32
    %broadcast_in_dim3A_71 = vector.broadcast %jit3A_70 : i32 to vector<128x8192xi32>
    %select_n3A_72 = arith.select %eq3A_69, %iota3A, %broadcast_in_dim3A_71 : vector<128x8192xi1>, vector<128x8192xi32>
    %reduce_min3A_73 = arith.constant dense<2147483647> : vector<128xi32>
    %reduce_min3A_74 = vector.multi_reduction <minsi>, %select_n3A_72, %reduce_min3A_73 [1] : vector<128x8192xi32> to vector<128xi32>
    %broadcast_in_dim3A_75 = vector.shape_cast %reduce_min3A_74 : vector<128xi32> to vector<128x1xi32>
    %eq3A_76 = arith.constant 2 : i32
    %eq3A_77 = vector.broadcast %eq3A_76 : i32 to vector<128x16xi32>
    %eq3A_78 = arith.cmpi eq, %iota3A_22, %eq3A_77 : vector<128x16xi32>
    %broadcast_in_dim3A_79 = vector.shape_cast %broadcast_in_dim3A_75 : vector<128x1xi32> to vector<128x1xi32>
    %broadcast_in_dim3A_80 = vector.broadcast %broadcast_in_dim3A_79 : vector<128x1xi32> to vector<128x16xi32>
    %select_n3A_81 = arith.select %eq3A_78, %broadcast_in_dim3A_80, %select_n3A_59 : vector<128x16xi1>, vector<128x16xi32>
    %eq3A_82 = vector.broadcast %broadcast_in_dim3A_75 : vector<128x1xi32> to vector<128x8192xi32>
    %eq3A_83 = arith.cmpi eq, %iota3A, %eq3A_82 : vector<128x8192xi32>
    %jit3A_84 = arith.constant 0x7F800000 : f32
    %broadcast_in_dim3A_85 = vector.broadcast %jit3A_84 : f32 to vector<128x8192xf32>
    %select_n3A_86 = arith.select %eq3A_83, %broadcast_in_dim3A_85, %select_n3A_64 : vector<128x8192xi1>, vector<128x8192xf32>
    %reduce_min3A_87 = arith.constant dense<0x7F800000> : vector<128xf32>
    %reduce_min3A_88 = vector.multi_reduction <minimumf>, %select_n3A_86, %reduce_min3A_87 [1] : vector<128x8192xf32> to vector<128xf32>
    %broadcast_in_dim3A_89 = vector.shape_cast %reduce_min3A_88 : vector<128xf32> to vector<128x1xf32>
    %eq3A_90 = vector.broadcast %broadcast_in_dim3A_89 : vector<128x1xf32> to vector<128x8192xf32>
    %eq3A_91 = arith.cmpf oeq, %select_n3A_86, %eq3A_90 : vector<128x8192xf32>
    %jit3A_92 = arith.constant 2147483647 : i32
    %broadcast_in_dim3A_93 = vector.broadcast %jit3A_92 : i32 to vector<128x8192xi32>
    %select_n3A_94 = arith.select %eq3A_91, %iota3A, %broadcast_in_dim3A_93 : vector<128x8192xi1>, vector<128x8192xi32>
    %reduce_min3A_95 = arith.constant dense<2147483647> : vector<128xi32>
    %reduce_min3A_96 = vector.multi_reduction <minsi>, %select_n3A_94, %reduce_min3A_95 [1] : vector<128x8192xi32> to vector<128xi32>
    %broadcast_in_dim3A_97 = vector.shape_cast %reduce_min3A_96 : vector<128xi32> to vector<128x1xi32>
    %eq3A_98 = arith.constant 3 : i32
    %eq3A_99 = vector.broadcast %eq3A_98 : i32 to vector<128x16xi32>
    %eq3A_100 = arith.cmpi eq, %iota3A_22, %eq3A_99 : vector<128x16xi32>
    %broadcast_in_dim3A_101 = vector.shape_cast %broadcast_in_dim3A_97 : vector<128x1xi32> to vector<128x1xi32>
    %broadcast_in_dim3A_102 = vector.broadcast %broadcast_in_dim3A_101 : vector<128x1xi32> to vector<128x16xi32>
    %select_n3A_103 = arith.select %eq3A_100, %broadcast_in_dim3A_102, %select_n3A_81 : vector<128x16xi1>, vector<128x16xi32>
    %eq3A_104 = vector.broadcast %broadcast_in_dim3A_97 : vector<128x1xi32> to vector<128x8192xi32>
    %eq3A_105 = arith.cmpi eq, %iota3A, %eq3A_104 : vector<128x8192xi32>
    %jit3A_106 = arith.constant 0x7F800000 : f32
    %broadcast_in_dim3A_107 = vector.broadcast %jit3A_106 : f32 to vector<128x8192xf32>
    %select_n3A_108 = arith.select %eq3A_105, %broadcast_in_dim3A_107, %select_n3A_86 : vector<128x8192xi1>, vector<128x8192xf32>
    %reduce_min3A_109 = arith.constant dense<0x7F800000> : vector<128xf32>
    %reduce_min3A_110 = vector.multi_reduction <minimumf>, %select_n3A_108, %reduce_min3A_109 [1] : vector<128x8192xf32> to vector<128xf32>
    %broadcast_in_dim3A_111 = vector.shape_cast %reduce_min3A_110 : vector<128xf32> to vector<128x1xf32>
    %eq3A_112 = vector.broadcast %broadcast_in_dim3A_111 : vector<128x1xf32> to vector<128x8192xf32>
    %eq3A_113 = arith.cmpf oeq, %select_n3A_108, %eq3A_112 : vector<128x8192xf32>
    %jit3A_114 = arith.constant 2147483647 : i32
    %broadcast_in_dim3A_115 = vector.broadcast %jit3A_114 : i32 to vector<128x8192xi32>
    %select_n3A_116 = arith.select %eq3A_113, %iota3A, %broadcast_in_dim3A_115 : vector<128x8192xi1>, vector<128x8192xi32>
    %reduce_min3A_117 = arith.constant dense<2147483647> : vector<128xi32>
    %reduce_min3A_118 = vector.multi_reduction <minsi>, %select_n3A_116, %reduce_min3A_117 [1] : vector<128x8192xi32> to vector<128xi32>
    %broadcast_in_dim3A_119 = vector.shape_cast %reduce_min3A_118 : vector<128xi32> to vector<128x1xi32>
    %eq3A_120 = arith.constant 4 : i32
    %eq3A_121 = vector.broadcast %eq3A_120 : i32 to vector<128x16xi32>
    %eq3A_122 = arith.cmpi eq, %iota3A_22, %eq3A_121 : vector<128x16xi32>
    %broadcast_in_dim3A_123 = vector.shape_cast %broadcast_in_dim3A_119 : vector<128x1xi32> to vector<128x1xi32>
    %broadcast_in_dim3A_124 = vector.broadcast %broadcast_in_dim3A_123 : vector<128x1xi32> to vector<128x16xi32>
    %select_n3A_125 = arith.select %eq3A_122, %broadcast_in_dim3A_124, %select_n3A_103 : vector<128x16xi1>, vector<128x16xi32>
    %eq3A_126 = vector.broadcast %broadcast_in_dim3A_119 : vector<128x1xi32> to vector<128x8192xi32>
    %eq3A_127 = arith.cmpi eq, %iota3A, %eq3A_126 : vector<128x8192xi32>
    %jit3A_128 = arith.constant 0x7F800000 : f32
    %broadcast_in_dim3A_129 = vector.broadcast %jit3A_128 : f32 to vector<128x8192xf32>
    %select_n3A_130 = arith.select %eq3A_127, %broadcast_in_dim3A_129, %select_n3A_108 : vector<128x8192xi1>, vector<128x8192xf32>
    %reduce_min3A_131 = arith.constant dense<0x7F800000> : vector<128xf32>
    %reduce_min3A_132 = vector.multi_reduction <minimumf>, %select_n3A_130, %reduce_min3A_131 [1] : vector<128x8192xf32> to vector<128xf32>
    %broadcast_in_dim3A_133 = vector.shape_cast %reduce_min3A_132 : vector<128xf32> to vector<128x1xf32>
    %eq3A_134 = vector.broadcast %broadcast_in_dim3A_133 : vector<128x1xf32> to vector<128x8192xf32>
    %eq3A_135 = arith.cmpf oeq, %select_n3A_130, %eq3A_134 : vector<128x8192xf32>
    %jit3A_136 = arith.constant 2147483647 : i32
    %broadcast_in_dim3A_137 = vector.broadcast %jit3A_136 : i32 to vector<128x8192xi32>
    %select_n3A_138 = arith.select %eq3A_135, %iota3A, %broadcast_in_dim3A_137 : vector<128x8192xi1>, vector<128x8192xi32>
    %reduce_min3A_139 = arith.constant dense<2147483647> : vector<128xi32>
    %reduce_min3A_140 = vector.multi_reduction <minsi>, %select_n3A_138, %reduce_min3A_139 [1] : vector<128x8192xi32> to vector<128xi32>
    %broadcast_in_dim3A_141 = vector.shape_cast %reduce_min3A_140 : vector<128xi32> to vector<128x1xi32>
    %eq3A_142 = arith.constant 5 : i32
    %eq3A_143 = vector.broadcast %eq3A_142 : i32 to vector<128x16xi32>
    %eq3A_144 = arith.cmpi eq, %iota3A_22, %eq3A_143 : vector<128x16xi32>
    %broadcast_in_dim3A_145 = vector.shape_cast %broadcast_in_dim3A_141 : vector<128x1xi32> to vector<128x1xi32>
    %broadcast_in_dim3A_146 = vector.broadcast %broadcast_in_dim3A_145 : vector<128x1xi32> to vector<128x16xi32>
    %select_n3A_147 = arith.select %eq3A_144, %broadcast_in_dim3A_146, %select_n3A_125 : vector<128x16xi1>, vector<128x16xi32>
    %eq3A_148 = vector.broadcast %broadcast_in_dim3A_141 : vector<128x1xi32> to vector<128x8192xi32>
    %eq3A_149 = arith.cmpi eq, %iota3A, %eq3A_148 : vector<128x8192xi32>
    %jit3A_150 = arith.constant 0x7F800000 : f32
    %broadcast_in_dim3A_151 = vector.broadcast %jit3A_150 : f32 to vector<128x8192xf32>
    %select_n3A_152 = arith.select %eq3A_149, %broadcast_in_dim3A_151, %select_n3A_130 : vector<128x8192xi1>, vector<128x8192xf32>
    %reduce_min3A_153 = arith.constant dense<0x7F800000> : vector<128xf32>
    %reduce_min3A_154 = vector.multi_reduction <minimumf>, %select_n3A_152, %reduce_min3A_153 [1] : vector<128x8192xf32> to vector<128xf32>
    %broadcast_in_dim3A_155 = vector.shape_cast %reduce_min3A_154 : vector<128xf32> to vector<128x1xf32>
    %eq3A_156 = vector.broadcast %broadcast_in_dim3A_155 : vector<128x1xf32> to vector<128x8192xf32>
    %eq3A_157 = arith.cmpf oeq, %select_n3A_152, %eq3A_156 : vector<128x8192xf32>
    %jit3A_158 = arith.constant 2147483647 : i32
    %broadcast_in_dim3A_159 = vector.broadcast %jit3A_158 : i32 to vector<128x8192xi32>
    %select_n3A_160 = arith.select %eq3A_157, %iota3A, %broadcast_in_dim3A_159 : vector<128x8192xi1>, vector<128x8192xi32>
    %reduce_min3A_161 = arith.constant dense<2147483647> : vector<128xi32>
    %reduce_min3A_162 = vector.multi_reduction <minsi>, %select_n3A_160, %reduce_min3A_161 [1] : vector<128x8192xi32> to vector<128xi32>
    %broadcast_in_dim3A_163 = vector.shape_cast %reduce_min3A_162 : vector<128xi32> to vector<128x1xi32>
    %eq3A_164 = arith.constant 6 : i32
    %eq3A_165 = vector.broadcast %eq3A_164 : i32 to vector<128x16xi32>
    %eq3A_166 = arith.cmpi eq, %iota3A_22, %eq3A_165 : vector<128x16xi32>
    %broadcast_in_dim3A_167 = vector.shape_cast %broadcast_in_dim3A_163 : vector<128x1xi32> to vector<128x1xi32>
    %broadcast_in_dim3A_168 = vector.broadcast %broadcast_in_dim3A_167 : vector<128x1xi32> to vector<128x16xi32>
    %select_n3A_169 = arith.select %eq3A_166, %broadcast_in_dim3A_168, %select_n3A_147 : vector<128x16xi1>, vector<128x16xi32>
    %eq3A_170 = vector.broadcast %broadcast_in_dim3A_163 : vector<128x1xi32> to vector<128x8192xi32>
    %eq3A_171 = arith.cmpi eq, %iota3A, %eq3A_170 : vector<128x8192xi32>
    %jit3A_172 = arith.constant 0x7F800000 : f32
    %broadcast_in_dim3A_173 = vector.broadcast %jit3A_172 : f32 to vector<128x8192xf32>
    %select_n3A_174 = arith.select %eq3A_171, %broadcast_in_dim3A_173, %select_n3A_152 : vector<128x8192xi1>, vector<128x8192xf32>
    %reduce_min3A_175 = arith.constant dense<0x7F800000> : vector<128xf32>
    %reduce_min3A_176 = vector.multi_reduction <minimumf>, %select_n3A_174, %reduce_min3A_175 [1] : vector<128x8192xf32> to vector<128xf32>
    %broadcast_in_dim3A_177 = vector.shape_cast %reduce_min3A_176 : vector<128xf32> to vector<128x1xf32>
    %eq3A_178 = vector.broadcast %broadcast_in_dim3A_177 : vector<128x1xf32> to vector<128x8192xf32>
    %eq3A_179 = arith.cmpf oeq, %select_n3A_174, %eq3A_178 : vector<128x8192xf32>
    %jit3A_180 = arith.constant 2147483647 : i32
    %broadcast_in_dim3A_181 = vector.broadcast %jit3A_180 : i32 to vector<128x8192xi32>
    %select_n3A_182 = arith.select %eq3A_179, %iota3A, %broadcast_in_dim3A_181 : vector<128x8192xi1>, vector<128x8192xi32>
    %reduce_min3A_183 = arith.constant dense<2147483647> : vector<128xi32>
    %reduce_min3A_184 = vector.multi_reduction <minsi>, %select_n3A_182, %reduce_min3A_183 [1] : vector<128x8192xi32> to vector<128xi32>
    %broadcast_in_dim3A_185 = vector.shape_cast %reduce_min3A_184 : vector<128xi32> to vector<128x1xi32>
    %eq3A_186 = arith.constant 7 : i32
    %eq3A_187 = vector.broadcast %eq3A_186 : i32 to vector<128x16xi32>
    %eq3A_188 = arith.cmpi eq, %iota3A_22, %eq3A_187 : vector<128x16xi32>
    %broadcast_in_dim3A_189 = vector.shape_cast %broadcast_in_dim3A_185 : vector<128x1xi32> to vector<128x1xi32>
    %broadcast_in_dim3A_190 = vector.broadcast %broadcast_in_dim3A_189 : vector<128x1xi32> to vector<128x16xi32>
    %select_n3A_191 = arith.select %eq3A_188, %broadcast_in_dim3A_190, %select_n3A_169 : vector<128x16xi1>, vector<128x16xi32>
    %eq3A_192 = vector.broadcast %broadcast_in_dim3A_185 : vector<128x1xi32> to vector<128x8192xi32>
    %eq3A_193 = arith.cmpi eq, %iota3A, %eq3A_192 : vector<128x8192xi32>
    %jit3A_194 = arith.constant 0x7F800000 : f32
    %broadcast_in_dim3A_195 = vector.broadcast %jit3A_194 : f32 to vector<128x8192xf32>
    %select_n3A_196 = arith.select %eq3A_193, %broadcast_in_dim3A_195, %select_n3A_174 : vector<128x8192xi1>, vector<128x8192xf32>
    %reduce_min3A_197 = arith.constant dense<0x7F800000> : vector<128xf32>
    %reduce_min3A_198 = vector.multi_reduction <minimumf>, %select_n3A_196, %reduce_min3A_197 [1] : vector<128x8192xf32> to vector<128xf32>
    %broadcast_in_dim3A_199 = vector.shape_cast %reduce_min3A_198 : vector<128xf32> to vector<128x1xf32>
    %eq3A_200 = vector.broadcast %broadcast_in_dim3A_199 : vector<128x1xf32> to vector<128x8192xf32>
    %eq3A_201 = arith.cmpf oeq, %select_n3A_196, %eq3A_200 : vector<128x8192xf32>
    %jit3A_202 = arith.constant 2147483647 : i32
    %broadcast_in_dim3A_203 = vector.broadcast %jit3A_202 : i32 to vector<128x8192xi32>
    %select_n3A_204 = arith.select %eq3A_201, %iota3A, %broadcast_in_dim3A_203 : vector<128x8192xi1>, vector<128x8192xi32>
    %reduce_min3A_205 = arith.constant dense<2147483647> : vector<128xi32>
    %reduce_min3A_206 = vector.multi_reduction <minsi>, %select_n3A_204, %reduce_min3A_205 [1] : vector<128x8192xi32> to vector<128xi32>
    %broadcast_in_dim3A_207 = vector.shape_cast %reduce_min3A_206 : vector<128xi32> to vector<128x1xi32>
    %eq3A_208 = arith.constant 8 : i32
    %eq3A_209 = vector.broadcast %eq3A_208 : i32 to vector<128x16xi32>
    %eq3A_210 = arith.cmpi eq, %iota3A_22, %eq3A_209 : vector<128x16xi32>
    %broadcast_in_dim3A_211 = vector.shape_cast %broadcast_in_dim3A_207 : vector<128x1xi32> to vector<128x1xi32>
    %broadcast_in_dim3A_212 = vector.broadcast %broadcast_in_dim3A_211 : vector<128x1xi32> to vector<128x16xi32>
    %select_n3A_213 = arith.select %eq3A_210, %broadcast_in_dim3A_212, %select_n3A_191 : vector<128x16xi1>, vector<128x16xi32>
    %eq3A_214 = vector.broadcast %broadcast_in_dim3A_207 : vector<128x1xi32> to vector<128x8192xi32>
    %eq3A_215 = arith.cmpi eq, %iota3A, %eq3A_214 : vector<128x8192xi32>
    %jit3A_216 = arith.constant 0x7F800000 : f32
    %broadcast_in_dim3A_217 = vector.broadcast %jit3A_216 : f32 to vector<128x8192xf32>
    %select_n3A_218 = arith.select %eq3A_215, %broadcast_in_dim3A_217, %select_n3A_196 : vector<128x8192xi1>, vector<128x8192xf32>
    %reduce_min3A_219 = arith.constant dense<0x7F800000> : vector<128xf32>
    %reduce_min3A_220 = vector.multi_reduction <minimumf>, %select_n3A_218, %reduce_min3A_219 [1] : vector<128x8192xf32> to vector<128xf32>
    %broadcast_in_dim3A_221 = vector.shape_cast %reduce_min3A_220 : vector<128xf32> to vector<128x1xf32>
    %eq3A_222 = vector.broadcast %broadcast_in_dim3A_221 : vector<128x1xf32> to vector<128x8192xf32>
    %eq3A_223 = arith.cmpf oeq, %select_n3A_218, %eq3A_222 : vector<128x8192xf32>
    %jit3A_224 = arith.constant 2147483647 : i32
    %broadcast_in_dim3A_225 = vector.broadcast %jit3A_224 : i32 to vector<128x8192xi32>
    %select_n3A_226 = arith.select %eq3A_223, %iota3A, %broadcast_in_dim3A_225 : vector<128x8192xi1>, vector<128x8192xi32>
    %reduce_min3A_227 = arith.constant dense<2147483647> : vector<128xi32>
    %reduce_min3A_228 = vector.multi_reduction <minsi>, %select_n3A_226, %reduce_min3A_227 [1] : vector<128x8192xi32> to vector<128xi32>
    %broadcast_in_dim3A_229 = vector.shape_cast %reduce_min3A_228 : vector<128xi32> to vector<128x1xi32>
    %eq3A_230 = arith.constant 9 : i32
    %eq3A_231 = vector.broadcast %eq3A_230 : i32 to vector<128x16xi32>
    %eq3A_232 = arith.cmpi eq, %iota3A_22, %eq3A_231 : vector<128x16xi32>
    %broadcast_in_dim3A_233 = vector.shape_cast %broadcast_in_dim3A_229 : vector<128x1xi32> to vector<128x1xi32>
    %broadcast_in_dim3A_234 = vector.broadcast %broadcast_in_dim3A_233 : vector<128x1xi32> to vector<128x16xi32>
    %select_n3A_235 = arith.select %eq3A_232, %broadcast_in_dim3A_234, %select_n3A_213 : vector<128x16xi1>, vector<128x16xi32>
    %eq3A_236 = vector.broadcast %broadcast_in_dim3A_229 : vector<128x1xi32> to vector<128x8192xi32>
    %eq3A_237 = arith.cmpi eq, %iota3A, %eq3A_236 : vector<128x8192xi32>
    %jit3A_238 = arith.constant 0x7F800000 : f32
    %broadcast_in_dim3A_239 = vector.broadcast %jit3A_238 : f32 to vector<128x8192xf32>
    %select_n3A_240 = arith.select %eq3A_237, %broadcast_in_dim3A_239, %select_n3A_218 : vector<128x8192xi1>, vector<128x8192xf32>
    %reduce_min3A_241 = arith.constant dense<0x7F800000> : vector<128xf32>
    %reduce_min3A_242 = vector.multi_reduction <minimumf>, %select_n3A_240, %reduce_min3A_241 [1] : vector<128x8192xf32> to vector<128xf32>
    %broadcast_in_dim3A_243 = vector.shape_cast %reduce_min3A_242 : vector<128xf32> to vector<128x1xf32>
    %eq3A_244 = vector.broadcast %broadcast_in_dim3A_243 : vector<128x1xf32> to vector<128x8192xf32>
    %eq3A_245 = arith.cmpf oeq, %select_n3A_240, %eq3A_244 : vector<128x8192xf32>
    %jit3A_246 = arith.constant 2147483647 : i32
    %broadcast_in_dim3A_247 = vector.broadcast %jit3A_246 : i32 to vector<128x8192xi32>
    %select_n3A_248 = arith.select %eq3A_245, %iota3A, %broadcast_in_dim3A_247 : vector<128x8192xi1>, vector<128x8192xi32>
    %reduce_min3A_249 = arith.constant dense<2147483647> : vector<128xi32>
    %reduce_min3A_250 = vector.multi_reduction <minsi>, %select_n3A_248, %reduce_min3A_249 [1] : vector<128x8192xi32> to vector<128xi32>
    %broadcast_in_dim3A_251 = vector.shape_cast %reduce_min3A_250 : vector<128xi32> to vector<128x1xi32>
    %eq3A_252 = arith.constant 10 : i32
    %eq3A_253 = vector.broadcast %eq3A_252 : i32 to vector<128x16xi32>
    %eq3A_254 = arith.cmpi eq, %iota3A_22, %eq3A_253 : vector<128x16xi32>
    %broadcast_in_dim3A_255 = vector.shape_cast %broadcast_in_dim3A_251 : vector<128x1xi32> to vector<128x1xi32>
    %broadcast_in_dim3A_256 = vector.broadcast %broadcast_in_dim3A_255 : vector<128x1xi32> to vector<128x16xi32>
    %select_n3A_257 = arith.select %eq3A_254, %broadcast_in_dim3A_256, %select_n3A_235 : vector<128x16xi1>, vector<128x16xi32>
    %eq3A_258 = vector.broadcast %broadcast_in_dim3A_251 : vector<128x1xi32> to vector<128x8192xi32>
    %eq3A_259 = arith.cmpi eq, %iota3A, %eq3A_258 : vector<128x8192xi32>
    %jit3A_260 = arith.constant 0x7F800000 : f32
    %broadcast_in_dim3A_261 = vector.broadcast %jit3A_260 : f32 to vector<128x8192xf32>
    %select_n3A_262 = arith.select %eq3A_259, %broadcast_in_dim3A_261, %select_n3A_240 : vector<128x8192xi1>, vector<128x8192xf32>
    %reduce_min3A_263 = arith.constant dense<0x7F800000> : vector<128xf32>
    %reduce_min3A_264 = vector.multi_reduction <minimumf>, %select_n3A_262, %reduce_min3A_263 [1] : vector<128x8192xf32> to vector<128xf32>
    %broadcast_in_dim3A_265 = vector.shape_cast %reduce_min3A_264 : vector<128xf32> to vector<128x1xf32>
    %eq3A_266 = vector.broadcast %broadcast_in_dim3A_265 : vector<128x1xf32> to vector<128x8192xf32>
    %eq3A_267 = arith.cmpf oeq, %select_n3A_262, %eq3A_266 : vector<128x8192xf32>
    %jit3A_268 = arith.constant 2147483647 : i32
    %broadcast_in_dim3A_269 = vector.broadcast %jit3A_268 : i32 to vector<128x8192xi32>
    %select_n3A_270 = arith.select %eq3A_267, %iota3A, %broadcast_in_dim3A_269 : vector<128x8192xi1>, vector<128x8192xi32>
    %reduce_min3A_271 = arith.constant dense<2147483647> : vector<128xi32>
    %reduce_min3A_272 = vector.multi_reduction <minsi>, %select_n3A_270, %reduce_min3A_271 [1] : vector<128x8192xi32> to vector<128xi32>
    %broadcast_in_dim3A_273 = vector.shape_cast %reduce_min3A_272 : vector<128xi32> to vector<128x1xi32>
    %eq3A_274 = arith.constant 11 : i32
    %eq3A_275 = vector.broadcast %eq3A_274 : i32 to vector<128x16xi32>
    %eq3A_276 = arith.cmpi eq, %iota3A_22, %eq3A_275 : vector<128x16xi32>
    %broadcast_in_dim3A_277 = vector.shape_cast %broadcast_in_dim3A_273 : vector<128x1xi32> to vector<128x1xi32>
    %broadcast_in_dim3A_278 = vector.broadcast %broadcast_in_dim3A_277 : vector<128x1xi32> to vector<128x16xi32>
    %select_n3A_279 = arith.select %eq3A_276, %broadcast_in_dim3A_278, %select_n3A_257 : vector<128x16xi1>, vector<128x16xi32>
    %eq3A_280 = vector.broadcast %broadcast_in_dim3A_273 : vector<128x1xi32> to vector<128x8192xi32>
    %eq3A_281 = arith.cmpi eq, %iota3A, %eq3A_280 : vector<128x8192xi32>
    %jit3A_282 = arith.constant 0x7F800000 : f32
    %broadcast_in_dim3A_283 = vector.broadcast %jit3A_282 : f32 to vector<128x8192xf32>
    %select_n3A_284 = arith.select %eq3A_281, %broadcast_in_dim3A_283, %select_n3A_262 : vector<128x8192xi1>, vector<128x8192xf32>
    %reduce_min3A_285 = arith.constant dense<0x7F800000> : vector<128xf32>
    %reduce_min3A_286 = vector.multi_reduction <minimumf>, %select_n3A_284, %reduce_min3A_285 [1] : vector<128x8192xf32> to vector<128xf32>
    %broadcast_in_dim3A_287 = vector.shape_cast %reduce_min3A_286 : vector<128xf32> to vector<128x1xf32>
    %eq3A_288 = vector.broadcast %broadcast_in_dim3A_287 : vector<128x1xf32> to vector<128x8192xf32>
    %eq3A_289 = arith.cmpf oeq, %select_n3A_284, %eq3A_288 : vector<128x8192xf32>
    %jit3A_290 = arith.constant 2147483647 : i32
    %broadcast_in_dim3A_291 = vector.broadcast %jit3A_290 : i32 to vector<128x8192xi32>
    %select_n3A_292 = arith.select %eq3A_289, %iota3A, %broadcast_in_dim3A_291 : vector<128x8192xi1>, vector<128x8192xi32>
    %reduce_min3A_293 = arith.constant dense<2147483647> : vector<128xi32>
    %reduce_min3A_294 = vector.multi_reduction <minsi>, %select_n3A_292, %reduce_min3A_293 [1] : vector<128x8192xi32> to vector<128xi32>
    %broadcast_in_dim3A_295 = vector.shape_cast %reduce_min3A_294 : vector<128xi32> to vector<128x1xi32>
    %eq3A_296 = arith.constant 12 : i32
    %eq3A_297 = vector.broadcast %eq3A_296 : i32 to vector<128x16xi32>
    %eq3A_298 = arith.cmpi eq, %iota3A_22, %eq3A_297 : vector<128x16xi32>
    %broadcast_in_dim3A_299 = vector.shape_cast %broadcast_in_dim3A_295 : vector<128x1xi32> to vector<128x1xi32>
    %broadcast_in_dim3A_300 = vector.broadcast %broadcast_in_dim3A_299 : vector<128x1xi32> to vector<128x16xi32>
    %select_n3A_301 = arith.select %eq3A_298, %broadcast_in_dim3A_300, %select_n3A_279 : vector<128x16xi1>, vector<128x16xi32>
    %eq3A_302 = vector.broadcast %broadcast_in_dim3A_295 : vector<128x1xi32> to vector<128x8192xi32>
    %eq3A_303 = arith.cmpi eq, %iota3A, %eq3A_302 : vector<128x8192xi32>
    %jit3A_304 = arith.constant 0x7F800000 : f32
    %broadcast_in_dim3A_305 = vector.broadcast %jit3A_304 : f32 to vector<128x8192xf32>
    %select_n3A_306 = arith.select %eq3A_303, %broadcast_in_dim3A_305, %select_n3A_284 : vector<128x8192xi1>, vector<128x8192xf32>
    %reduce_min3A_307 = arith.constant dense<0x7F800000> : vector<128xf32>
    %reduce_min3A_308 = vector.multi_reduction <minimumf>, %select_n3A_306, %reduce_min3A_307 [1] : vector<128x8192xf32> to vector<128xf32>
    %broadcast_in_dim3A_309 = vector.shape_cast %reduce_min3A_308 : vector<128xf32> to vector<128x1xf32>
    %eq3A_310 = vector.broadcast %broadcast_in_dim3A_309 : vector<128x1xf32> to vector<128x8192xf32>
    %eq3A_311 = arith.cmpf oeq, %select_n3A_306, %eq3A_310 : vector<128x8192xf32>
    %jit3A_312 = arith.constant 2147483647 : i32
    %broadcast_in_dim3A_313 = vector.broadcast %jit3A_312 : i32 to vector<128x8192xi32>
    %select_n3A_314 = arith.select %eq3A_311, %iota3A, %broadcast_in_dim3A_313 : vector<128x8192xi1>, vector<128x8192xi32>
    %reduce_min3A_315 = arith.constant dense<2147483647> : vector<128xi32>
    %reduce_min3A_316 = vector.multi_reduction <minsi>, %select_n3A_314, %reduce_min3A_315 [1] : vector<128x8192xi32> to vector<128xi32>
    %broadcast_in_dim3A_317 = vector.shape_cast %reduce_min3A_316 : vector<128xi32> to vector<128x1xi32>
    %eq3A_318 = arith.constant 13 : i32
    %eq3A_319 = vector.broadcast %eq3A_318 : i32 to vector<128x16xi32>
    %eq3A_320 = arith.cmpi eq, %iota3A_22, %eq3A_319 : vector<128x16xi32>
    %broadcast_in_dim3A_321 = vector.shape_cast %broadcast_in_dim3A_317 : vector<128x1xi32> to vector<128x1xi32>
    %broadcast_in_dim3A_322 = vector.broadcast %broadcast_in_dim3A_321 : vector<128x1xi32> to vector<128x16xi32>
    %select_n3A_323 = arith.select %eq3A_320, %broadcast_in_dim3A_322, %select_n3A_301 : vector<128x16xi1>, vector<128x16xi32>
    %eq3A_324 = vector.broadcast %broadcast_in_dim3A_317 : vector<128x1xi32> to vector<128x8192xi32>
    %eq3A_325 = arith.cmpi eq, %iota3A, %eq3A_324 : vector<128x8192xi32>
    %jit3A_326 = arith.constant 0x7F800000 : f32
    %broadcast_in_dim3A_327 = vector.broadcast %jit3A_326 : f32 to vector<128x8192xf32>
    %select_n3A_328 = arith.select %eq3A_325, %broadcast_in_dim3A_327, %select_n3A_306 : vector<128x8192xi1>, vector<128x8192xf32>
    %reduce_min3A_329 = arith.constant dense<0x7F800000> : vector<128xf32>
    %reduce_min3A_330 = vector.multi_reduction <minimumf>, %select_n3A_328, %reduce_min3A_329 [1] : vector<128x8192xf32> to vector<128xf32>
    %broadcast_in_dim3A_331 = vector.shape_cast %reduce_min3A_330 : vector<128xf32> to vector<128x1xf32>
    %eq3A_332 = vector.broadcast %broadcast_in_dim3A_331 : vector<128x1xf32> to vector<128x8192xf32>
    %eq3A_333 = arith.cmpf oeq, %select_n3A_328, %eq3A_332 : vector<128x8192xf32>
    %jit3A_334 = arith.constant 2147483647 : i32
    %broadcast_in_dim3A_335 = vector.broadcast %jit3A_334 : i32 to vector<128x8192xi32>
    %select_n3A_336 = arith.select %eq3A_333, %iota3A, %broadcast_in_dim3A_335 : vector<128x8192xi1>, vector<128x8192xi32>
    %reduce_min3A_337 = arith.constant dense<2147483647> : vector<128xi32>
    %reduce_min3A_338 = vector.multi_reduction <minsi>, %select_n3A_336, %reduce_min3A_337 [1] : vector<128x8192xi32> to vector<128xi32>
    %broadcast_in_dim3A_339 = vector.shape_cast %reduce_min3A_338 : vector<128xi32> to vector<128x1xi32>
    %eq3A_340 = arith.constant 14 : i32
    %eq3A_341 = vector.broadcast %eq3A_340 : i32 to vector<128x16xi32>
    %eq3A_342 = arith.cmpi eq, %iota3A_22, %eq3A_341 : vector<128x16xi32>
    %broadcast_in_dim3A_343 = vector.shape_cast %broadcast_in_dim3A_339 : vector<128x1xi32> to vector<128x1xi32>
    %broadcast_in_dim3A_344 = vector.broadcast %broadcast_in_dim3A_343 : vector<128x1xi32> to vector<128x16xi32>
    %select_n3A_345 = arith.select %eq3A_342, %broadcast_in_dim3A_344, %select_n3A_323 : vector<128x16xi1>, vector<128x16xi32>
    %eq3A_346 = vector.broadcast %broadcast_in_dim3A_339 : vector<128x1xi32> to vector<128x8192xi32>
    %eq3A_347 = arith.cmpi eq, %iota3A, %eq3A_346 : vector<128x8192xi32>
    %jit3A_348 = arith.constant 0x7F800000 : f32
    %broadcast_in_dim3A_349 = vector.broadcast %jit3A_348 : f32 to vector<128x8192xf32>
    %select_n3A_350 = arith.select %eq3A_347, %broadcast_in_dim3A_349, %select_n3A_328 : vector<128x8192xi1>, vector<128x8192xf32>
    %reduce_min3A_351 = arith.constant dense<0x7F800000> : vector<128xf32>
    %reduce_min3A_352 = vector.multi_reduction <minimumf>, %select_n3A_350, %reduce_min3A_351 [1] : vector<128x8192xf32> to vector<128xf32>
    %broadcast_in_dim3A_353 = vector.shape_cast %reduce_min3A_352 : vector<128xf32> to vector<128x1xf32>
    %eq3A_354 = vector.broadcast %broadcast_in_dim3A_353 : vector<128x1xf32> to vector<128x8192xf32>
    %eq3A_355 = arith.cmpf oeq, %select_n3A_350, %eq3A_354 : vector<128x8192xf32>
    %jit3A_356 = arith.constant 2147483647 : i32
    %broadcast_in_dim3A_357 = vector.broadcast %jit3A_356 : i32 to vector<128x8192xi32>
    %select_n3A_358 = arith.select %eq3A_355, %iota3A, %broadcast_in_dim3A_357 : vector<128x8192xi1>, vector<128x8192xi32>
    %reduce_min3A_359 = arith.constant dense<2147483647> : vector<128xi32>
    %reduce_min3A_360 = vector.multi_reduction <minsi>, %select_n3A_358, %reduce_min3A_359 [1] : vector<128x8192xi32> to vector<128xi32>
    %broadcast_in_dim3A_361 = vector.shape_cast %reduce_min3A_360 : vector<128xi32> to vector<128x1xi32>
    %eq3A_362 = arith.constant 15 : i32
    %eq3A_363 = vector.broadcast %eq3A_362 : i32 to vector<128x16xi32>
    %eq3A_364 = arith.cmpi eq, %iota3A_22, %eq3A_363 : vector<128x16xi32>
    %broadcast_in_dim3A_365 = vector.shape_cast %broadcast_in_dim3A_361 : vector<128x1xi32> to vector<128x1xi32>
    %broadcast_in_dim3A_366 = vector.broadcast %broadcast_in_dim3A_365 : vector<128x1xi32> to vector<128x16xi32>
    %select_n3A_367 = arith.select %eq3A_364, %broadcast_in_dim3A_366, %select_n3A_345 : vector<128x16xi1>, vector<128x16xi32>
    %mul3A_368 = arith.constant 8192 : i32
    %mul3A_369 = arith.muli %arg0, %mul3A_368 : i32
    %add3A_370 = vector.broadcast %mul3A_369 : i32 to vector<128x16xi32>
    %add3A_371 = arith.addi %select_n3A_367, %add3A_370 : vector<128x16xi32>
    %swap3A = arith.constant 0 : index
    %swap3A_372 = arith.constant 0 : index
    %swap3A_373 = arith.constant 0 : index
    %swap3A_374 = vector.load %arg4[%swap3A, %swap3A_372, %swap3A_373] : memref<1x128x16xi32, #tpu.memory_space<vmem>>, vector<1x128x16xi32>
    %swap3A_375 = vector.shape_cast %swap3A_374 : vector<1x128x16xi32> to vector<128x16xi32>
    %swap3A_376 = vector.shape_cast %add3A_371 : vector<128x16xi32> to vector<1x128x16xi32>
    tpu.vector_store %arg4[%swap3A, %swap3A_372, %swap3A_373], %swap3A_376 {strides = array<i32>} : memref<1x128x16xi32, #tpu.memory_space<vmem>>, vector<1x128x16xi32>,
    return
  }
  func.func @transform_0(%arg0: i32, %arg1: i32) -> (i32, i32, i32) {
    %c0_i32 = arith.constant 0 : i32
    %c0_i32_0 = arith.constant 0 : i32
    return %arg0, %c0_i32, %arg1 : i32, i32, i32
  }
  func.func @transform_1(%arg0: i32, %arg1: i32) -> (i32, i32, i32) {
    %c0_i32 = arith.constant 0 : i32
    %c0_i32_0 = arith.constant 0 : i32
    %c0_i32_1 = arith.constant 0 : i32
    return %arg0, %c0_i32, %c0_i32_0 : i32, i32, i32
  }
  func.func @transform_2(%arg0: i32, %arg1: i32) -> (i32, i32, i32) {
    %c0_i32 = arith.constant 0 : i32
    %c0_i32_0 = arith.constant 0 : i32
    return %arg0, %arg1, %c0_i32 : i32, i32, i32
  }
}

module attributes {stable_mosaic.version = 14 : i64} {
  func.func @_fps_body(%arg0: memref<2x3x64x128xf32, #tpu.memory_space<vmem>>, %arg1: memref<2x16x128xi32, #tpu.memory_space<vmem>>, %arg2: memref<2x3x16x128xf32, #tpu.memory_space<vmem>>) attributes {dimension_semantics = [], scalar_prefetch = 0 : i64, scratch_operands = 0 : i64, tpu.core_type = #tpu.core_type<tc>} {
    %get3A = arith.constant 0 : index
    %get3A_0 = arith.constant 0 : index
    %get3A_1 = arith.constant 0 : index
    %get3A_2 = arith.constant 0 : index
    %get3A_3 = vector.load %arg0[%get3A, %get3A_0, %get3A_1, %get3A_2] : memref<2x3x64x128xf32, #tpu.memory_space<vmem>>, vector<2x1x64x128xf32>
    %get3A_4 = vector.shape_cast %get3A_3 : vector<2x1x64x128xf32> to vector<2x64x128xf32>
    %get3A_5 = arith.constant 0 : index
    %get3A_6 = arith.constant 1 : index
    %get3A_7 = arith.constant 0 : index
    %get3A_8 = arith.constant 0 : index
    %get3A_9 = vector.load %arg0[%get3A_5, %get3A_6, %get3A_7, %get3A_8] : memref<2x3x64x128xf32, #tpu.memory_space<vmem>>, vector<2x1x64x128xf32>
    %get3A_10 = vector.shape_cast %get3A_9 : vector<2x1x64x128xf32> to vector<2x64x128xf32>
    %get3A_11 = arith.constant 0 : index
    %get3A_12 = arith.constant 2 : index
    %get3A_13 = arith.constant 0 : index
    %get3A_14 = arith.constant 0 : index
    %get3A_15 = vector.load %arg0[%get3A_11, %get3A_12, %get3A_13, %get3A_14] : memref<2x3x64x128xf32, #tpu.memory_space<vmem>>, vector<2x1x64x128xf32>
    %get3A_16 = vector.shape_cast %get3A_15 : vector<2x1x64x128xf32> to vector<2x64x128xf32>
    %iota3A = tpu.iota {dimensions = array<i32: 0>} : vector<64x128xi32>
    %mul3A = arith.constant 128 : i32
    %mul3A_17 = vector.broadcast %mul3A : i32 to vector<64x128xi32>
    %mul3A_18 = arith.muli %iota3A, %mul3A_17 : vector<64x128xi32>
    %iota3A_19 = tpu.iota {dimensions = array<i32: 1>} : vector<64x128xi32>
    %add3A = arith.addi %mul3A_18, %iota3A_19 : vector<64x128xi32>
    %broadcast_in_dim3A = vector.shape_cast %add3A : vector<64x128xi32> to vector<1x64x128xi32>
    %broadcast_in_dim3A_20 = vector.shape_cast %broadcast_in_dim3A : vector<1x64x128xi32> to vector<1x64x128xi32>
    %broadcast_in_dim3A_21 = vector.broadcast %broadcast_in_dim3A_20 : vector<1x64x128xi32> to vector<2x64x128xi32>
    %iota3A_22 = tpu.iota {dimensions = array<i32: 0>} : vector<16x128xi32>
    %mul3A_23 = arith.constant 128 : i32
    %mul3A_24 = vector.broadcast %mul3A_23 : i32 to vector<16x128xi32>
    %mul3A_25 = arith.muli %iota3A_22, %mul3A_24 : vector<16x128xi32>
    %iota3A_26 = tpu.iota {dimensions = array<i32: 1>} : vector<16x128xi32>
    %add3A_27 = arith.addi %mul3A_25, %iota3A_26 : vector<16x128xi32>
    %broadcast_in_dim3A_28 = vector.shape_cast %add3A_27 : vector<16x128xi32> to vector<1x16x128xi32>
    %broadcast_in_dim3A_29 = arith.constant 0 : i32
    %broadcast_in_dim3A_30 = vector.broadcast %broadcast_in_dim3A_29 : i32 to vector<2x1x1xi32>
    %slice3A = vector.extract_strided_slice %get3A_4 {offsets = [0, 0, 0], sizes = [2, 1, 1], strides = [1, 1, 1]} : vector<2x64x128xf32> to vector<2x1x1xf32>
    %slice3A_31 = vector.extract_strided_slice %get3A_10 {offsets = [0, 0, 0], sizes = [2, 1, 1], strides = [1, 1, 1]} : vector<2x64x128xf32> to vector<2x1x1xf32>
    %slice3A_32 = vector.extract_strided_slice %get3A_16 {offsets = [0, 0, 0], sizes = [2, 1, 1], strides = [1, 1, 1]} : vector<2x64x128xf32> to vector<2x1x1xf32>
    %broadcast_in_dim3A_33 = arith.constant 1.000000e+10 : f32
    %broadcast_in_dim3A_34 = vector.broadcast %broadcast_in_dim3A_33 : f32 to vector<2x64x128xf32>
    %scan3A = arith.constant 0 : i32
    %scan3A_35 = arith.constant 2048 : i32
    %scan3A_36 = arith.addi %scan3A, %scan3A_35 : i32
    %scan3A_37 = arith.constant 1 : i32
    %scan3A_38:5 = scf.for %scan3A_40 = %scan3A to %scan3A_36 step %scan3A_37 iter_args(%scan3A_41 = %broadcast_in_dim3A_30, %scan3A_42 = %slice3A, %scan3A_43 = %slice3A_31, %scan3A_44 = %slice3A_32, %scan3A_45 = %broadcast_in_dim3A_34) -> (vector<2x1x1xi32>, vector<2x1x1xf32>, vector<2x1x1xf32>, vector<2x1x1xf32>, vector<2x64x128xf32>)  : i32 {
      %eq3A = vector.broadcast %scan3A_40 : i32 to vector<1x16x128xi32>
      %eq3A_46 = arith.cmpi eq, %broadcast_in_dim3A_28, %eq3A : vector<1x16x128xi32>
      %get3A_47 = arith.constant 0 : index
      %get3A_48 = arith.constant 0 : index
      %get3A_49 = arith.constant 0 : index
      %get3A_50 = vector.load %arg1[%get3A_47, %get3A_48, %get3A_49] : memref<2x16x128xi32, #tpu.memory_space<vmem>>, vector<2x16x128xi32>
      %broadcast_in_dim3A_51 = vector.shape_cast %eq3A_46 : vector<1x16x128xi1> to vector<1x16x128xi1>
      %broadcast_in_dim3A_52 = vector.broadcast %broadcast_in_dim3A_51 : vector<1x16x128xi1> to vector<2x16x128xi1>
      %broadcast_in_dim3A_53 = vector.shape_cast %scan3A_41 : vector<2x1x1xi32> to vector<2x1x1xi32>
      %broadcast_in_dim3A_54 = vector.broadcast %broadcast_in_dim3A_53 : vector<2x1x1xi32> to vector<2x16x128xi32>
      %select_n3A = arith.select %broadcast_in_dim3A_52, %broadcast_in_dim3A_54, %get3A_50 : vector<2x16x128xi1>, vector<2x16x128xi32>
      %swap3A = arith.constant 0 : index
      %swap3A_55 = arith.constant 0 : index
      %swap3A_56 = arith.constant 0 : index
      %swap3A_57 = vector.load %arg1[%swap3A, %swap3A_55, %swap3A_56] : memref<2x16x128xi32, #tpu.memory_space<vmem>>, vector<2x16x128xi32>
      tpu.vector_store %arg1[%swap3A, %swap3A_55, %swap3A_56], %select_n3A {strides = array<i32>} : memref<2x16x128xi32, #tpu.memory_space<vmem>>, vector<2x16x128xi32>,
      %get3A_58 = arith.constant 0 : index
      %get3A_59 = arith.constant 0 : index
      %get3A_60 = arith.constant 0 : index
      %get3A_61 = arith.constant 0 : index
      %get3A_62 = vector.load %arg2[%get3A_58, %get3A_59, %get3A_60, %get3A_61] : memref<2x3x16x128xf32, #tpu.memory_space<vmem>>, vector<2x1x16x128xf32>
      %get3A_63 = vector.shape_cast %get3A_62 : vector<2x1x16x128xf32> to vector<2x16x128xf32>
      %broadcast_in_dim3A_64 = vector.shape_cast %eq3A_46 : vector<1x16x128xi1> to vector<1x16x128xi1>
      %broadcast_in_dim3A_65 = vector.broadcast %broadcast_in_dim3A_64 : vector<1x16x128xi1> to vector<2x16x128xi1>
      %broadcast_in_dim3A_66 = vector.shape_cast %scan3A_42 : vector<2x1x1xf32> to vector<2x1x1xf32>
      %broadcast_in_dim3A_67 = vector.broadcast %broadcast_in_dim3A_66 : vector<2x1x1xf32> to vector<2x16x128xf32>
      %select_n3A_68 = arith.select %broadcast_in_dim3A_65, %broadcast_in_dim3A_67, %get3A_63 : vector<2x16x128xi1>, vector<2x16x128xf32>
      %swap3A_69 = arith.constant 0 : index
      %swap3A_70 = arith.constant 0 : index
      %swap3A_71 = arith.constant 0 : index
      %swap3A_72 = arith.constant 0 : index
      %swap3A_73 = vector.load %arg2[%swap3A_69, %swap3A_70, %swap3A_71, %swap3A_72] : memref<2x3x16x128xf32, #tpu.memory_space<vmem>>, vector<2x1x16x128xf32>
      %swap3A_74 = vector.shape_cast %swap3A_73 : vector<2x1x16x128xf32> to vector<2x16x128xf32>
      %swap3A_75 = vector.shape_cast %select_n3A_68 : vector<2x16x128xf32> to vector<2x1x16x128xf32>
      tpu.vector_store %arg2[%swap3A_69, %swap3A_70, %swap3A_71, %swap3A_72], %swap3A_75 {strides = array<i32>} : memref<2x3x16x128xf32, #tpu.memory_space<vmem>>, vector<2x1x16x128xf32>,
      %get3A_76 = arith.constant 0 : index
      %get3A_77 = arith.constant 1 : index
      %get3A_78 = arith.constant 0 : index
      %get3A_79 = arith.constant 0 : index
      %get3A_80 = vector.load %arg2[%get3A_76, %get3A_77, %get3A_78, %get3A_79] : memref<2x3x16x128xf32, #tpu.memory_space<vmem>>, vector<2x1x16x128xf32>
      %get3A_81 = vector.shape_cast %get3A_80 : vector<2x1x16x128xf32> to vector<2x16x128xf32>
      %broadcast_in_dim3A_82 = vector.shape_cast %eq3A_46 : vector<1x16x128xi1> to vector<1x16x128xi1>
      %broadcast_in_dim3A_83 = vector.broadcast %broadcast_in_dim3A_82 : vector<1x16x128xi1> to vector<2x16x128xi1>
      %broadcast_in_dim3A_84 = vector.shape_cast %scan3A_43 : vector<2x1x1xf32> to vector<2x1x1xf32>
      %broadcast_in_dim3A_85 = vector.broadcast %broadcast_in_dim3A_84 : vector<2x1x1xf32> to vector<2x16x128xf32>
      %select_n3A_86 = arith.select %broadcast_in_dim3A_83, %broadcast_in_dim3A_85, %get3A_81 : vector<2x16x128xi1>, vector<2x16x128xf32>
      %swap3A_87 = arith.constant 0 : index
      %swap3A_88 = arith.constant 1 : index
      %swap3A_89 = arith.constant 0 : index
      %swap3A_90 = arith.constant 0 : index
      %swap3A_91 = vector.load %arg2[%swap3A_87, %swap3A_88, %swap3A_89, %swap3A_90] : memref<2x3x16x128xf32, #tpu.memory_space<vmem>>, vector<2x1x16x128xf32>
      %swap3A_92 = vector.shape_cast %swap3A_91 : vector<2x1x16x128xf32> to vector<2x16x128xf32>
      %swap3A_93 = vector.shape_cast %select_n3A_86 : vector<2x16x128xf32> to vector<2x1x16x128xf32>
      tpu.vector_store %arg2[%swap3A_87, %swap3A_88, %swap3A_89, %swap3A_90], %swap3A_93 {strides = array<i32>} : memref<2x3x16x128xf32, #tpu.memory_space<vmem>>, vector<2x1x16x128xf32>,
      %get3A_94 = arith.constant 0 : index
      %get3A_95 = arith.constant 2 : index
      %get3A_96 = arith.constant 0 : index
      %get3A_97 = arith.constant 0 : index
      %get3A_98 = vector.load %arg2[%get3A_94, %get3A_95, %get3A_96, %get3A_97] : memref<2x3x16x128xf32, #tpu.memory_space<vmem>>, vector<2x1x16x128xf32>
      %get3A_99 = vector.shape_cast %get3A_98 : vector<2x1x16x128xf32> to vector<2x16x128xf32>
      %broadcast_in_dim3A_100 = vector.shape_cast %eq3A_46 : vector<1x16x128xi1> to vector<1x16x128xi1>
      %broadcast_in_dim3A_101 = vector.broadcast %broadcast_in_dim3A_100 : vector<1x16x128xi1> to vector<2x16x128xi1>
      %broadcast_in_dim3A_102 = vector.shape_cast %scan3A_44 : vector<2x1x1xf32> to vector<2x1x1xf32>
      %broadcast_in_dim3A_103 = vector.broadcast %broadcast_in_dim3A_102 : vector<2x1x1xf32> to vector<2x16x128xf32>
      %select_n3A_104 = arith.select %broadcast_in_dim3A_101, %broadcast_in_dim3A_103, %get3A_99 : vector<2x16x128xi1>, vector<2x16x128xf32>
      %swap3A_105 = arith.constant 0 : index
      %swap3A_106 = arith.constant 2 : index
      %swap3A_107 = arith.constant 0 : index
      %swap3A_108 = arith.constant 0 : index
      %swap3A_109 = vector.load %arg2[%swap3A_105, %swap3A_106, %swap3A_107, %swap3A_108] : memref<2x3x16x128xf32, #tpu.memory_space<vmem>>, vector<2x1x16x128xf32>
      %swap3A_110 = vector.shape_cast %swap3A_109 : vector<2x1x16x128xf32> to vector<2x16x128xf32>
      %swap3A_111 = vector.shape_cast %select_n3A_104 : vector<2x16x128xf32> to vector<2x1x16x128xf32>
      tpu.vector_store %arg2[%swap3A_105, %swap3A_106, %swap3A_107, %swap3A_108], %swap3A_111 {strides = array<i32>} : memref<2x3x16x128xf32, #tpu.memory_space<vmem>>, vector<2x1x16x128xf32>,
      %sub3A = vector.broadcast %scan3A_42 : vector<2x1x1xf32> to vector<2x64x128xf32>
      %sub3A_112 = arith.subf %get3A_4, %sub3A : vector<2x64x128xf32>
      %sub3A_113 = vector.broadcast %scan3A_43 : vector<2x1x1xf32> to vector<2x64x128xf32>
      %sub3A_114 = arith.subf %get3A_10, %sub3A_113 : vector<2x64x128xf32>
      %sub3A_115 = vector.broadcast %scan3A_44 : vector<2x1x1xf32> to vector<2x64x128xf32>
      %sub3A_116 = arith.subf %get3A_16, %sub3A_115 : vector<2x64x128xf32>
      %mul3A_117 = arith.mulf %sub3A_112, %sub3A_112 : vector<2x64x128xf32>
      %mul3A_118 = arith.mulf %sub3A_114, %sub3A_114 : vector<2x64x128xf32>
      %add3A_119 = arith.addf %mul3A_117, %mul3A_118 : vector<2x64x128xf32>
      %mul3A_120 = arith.mulf %sub3A_116, %sub3A_116 : vector<2x64x128xf32>
      %add3A_121 = arith.addf %add3A_119, %mul3A_120 : vector<2x64x128xf32>
      %min3A = arith.minimumf %scan3A_45, %add3A_121 : vector<2x64x128xf32>
      %slice3A_122 = vector.extract_strided_slice %min3A {offsets = [0, 0, 0], sizes = [2, 32, 128], strides = [1, 1, 1]} : vector<2x64x128xf32> to vector<2x32x128xf32>
      %slice3A_123 = vector.extract_strided_slice %min3A {offsets = [0, 32, 0], sizes = [2, 32, 128], strides = [1, 1, 1]} : vector<2x64x128xf32> to vector<2x32x128xf32>
      %ge3A = arith.cmpf oge, %slice3A_122, %slice3A_123 : vector<2x32x128xf32>
      %slice3A_124 = vector.extract_strided_slice %min3A {offsets = [0, 0, 0], sizes = [2, 32, 128], strides = [1, 1, 1]} : vector<2x64x128xf32> to vector<2x32x128xf32>
      %slice3A_125 = vector.extract_strided_slice %min3A {offsets = [0, 32, 0], sizes = [2, 32, 128], strides = [1, 1, 1]} : vector<2x64x128xf32> to vector<2x32x128xf32>
      %select_n3A_126 = arith.select %ge3A, %slice3A_124, %slice3A_125 : vector<2x32x128xi1>, vector<2x32x128xf32>
      %slice3A_127 = vector.extract_strided_slice %broadcast_in_dim3A_21 {offsets = [0, 0, 0], sizes = [2, 32, 128], strides = [1, 1, 1]} : vector<2x64x128xi32> to vector<2x32x128xi32>
      %slice3A_128 = vector.extract_strided_slice %broadcast_in_dim3A_21 {offsets = [0, 32, 0], sizes = [2, 32, 128], strides = [1, 1, 1]} : vector<2x64x128xi32> to vector<2x32x128xi32>
      %select_n3A_129 = arith.select %ge3A, %slice3A_127, %slice3A_128 : vector<2x32x128xi1>, vector<2x32x128xi32>
      %slice3A_130 = vector.extract_strided_slice %get3A_4 {offsets = [0, 0, 0], sizes = [2, 32, 128], strides = [1, 1, 1]} : vector<2x64x128xf32> to vector<2x32x128xf32>
      %slice3A_131 = vector.extract_strided_slice %get3A_4 {offsets = [0, 32, 0], sizes = [2, 32, 128], strides = [1, 1, 1]} : vector<2x64x128xf32> to vector<2x32x128xf32>
      %select_n3A_132 = arith.select %ge3A, %slice3A_130, %slice3A_131 : vector<2x32x128xi1>, vector<2x32x128xf32>
      %slice3A_133 = vector.extract_strided_slice %get3A_10 {offsets = [0, 0, 0], sizes = [2, 32, 128], strides = [1, 1, 1]} : vector<2x64x128xf32> to vector<2x32x128xf32>
      %slice3A_134 = vector.extract_strided_slice %get3A_10 {offsets = [0, 32, 0], sizes = [2, 32, 128], strides = [1, 1, 1]} : vector<2x64x128xf32> to vector<2x32x128xf32>
      %select_n3A_135 = arith.select %ge3A, %slice3A_133, %slice3A_134 : vector<2x32x128xi1>, vector<2x32x128xf32>
      %slice3A_136 = vector.extract_strided_slice %get3A_16 {offsets = [0, 0, 0], sizes = [2, 32, 128], strides = [1, 1, 1]} : vector<2x64x128xf32> to vector<2x32x128xf32>
      %slice3A_137 = vector.extract_strided_slice %get3A_16 {offsets = [0, 32, 0], sizes = [2, 32, 128], strides = [1, 1, 1]} : vector<2x64x128xf32> to vector<2x32x128xf32>
      %select_n3A_138 = arith.select %ge3A, %slice3A_136, %slice3A_137 : vector<2x32x128xi1>, vector<2x32x128xf32>
      %slice3A_139 = vector.extract_strided_slice %select_n3A_126 {offsets = [0, 0, 0], sizes = [2, 16, 128], strides = [1, 1, 1]} : vector<2x32x128xf32> to vector<2x16x128xf32>
      %slice3A_140 = vector.extract_strided_slice %select_n3A_126 {offsets = [0, 16, 0], sizes = [2, 16, 128], strides = [1, 1, 1]} : vector<2x32x128xf32> to vector<2x16x128xf32>
      %ge3A_141 = arith.cmpf oge, %slice3A_139, %slice3A_140 : vector<2x16x128xf32>
      %slice3A_142 = vector.extract_strided_slice %select_n3A_126 {offsets = [0, 0, 0], sizes = [2, 16, 128], strides = [1, 1, 1]} : vector<2x32x128xf32> to vector<2x16x128xf32>
      %slice3A_143 = vector.extract_strided_slice %select_n3A_126 {offsets = [0, 16, 0], sizes = [2, 16, 128], strides = [1, 1, 1]} : vector<2x32x128xf32> to vector<2x16x128xf32>
      %select_n3A_144 = arith.select %ge3A_141, %slice3A_142, %slice3A_143 : vector<2x16x128xi1>, vector<2x16x128xf32>
      %slice3A_145 = vector.extract_strided_slice %select_n3A_129 {offsets = [0, 0, 0], sizes = [2, 16, 128], strides = [1, 1, 1]} : vector<2x32x128xi32> to vector<2x16x128xi32>
      %slice3A_146 = vector.extract_strided_slice %select_n3A_129 {offsets = [0, 16, 0], sizes = [2, 16, 128], strides = [1, 1, 1]} : vector<2x32x128xi32> to vector<2x16x128xi32>
      %select_n3A_147 = arith.select %ge3A_141, %slice3A_145, %slice3A_146 : vector<2x16x128xi1>, vector<2x16x128xi32>
      %slice3A_148 = vector.extract_strided_slice %select_n3A_132 {offsets = [0, 0, 0], sizes = [2, 16, 128], strides = [1, 1, 1]} : vector<2x32x128xf32> to vector<2x16x128xf32>
      %slice3A_149 = vector.extract_strided_slice %select_n3A_132 {offsets = [0, 16, 0], sizes = [2, 16, 128], strides = [1, 1, 1]} : vector<2x32x128xf32> to vector<2x16x128xf32>
      %select_n3A_150 = arith.select %ge3A_141, %slice3A_148, %slice3A_149 : vector<2x16x128xi1>, vector<2x16x128xf32>
      %slice3A_151 = vector.extract_strided_slice %select_n3A_135 {offsets = [0, 0, 0], sizes = [2, 16, 128], strides = [1, 1, 1]} : vector<2x32x128xf32> to vector<2x16x128xf32>
      %slice3A_152 = vector.extract_strided_slice %select_n3A_135 {offsets = [0, 16, 0], sizes = [2, 16, 128], strides = [1, 1, 1]} : vector<2x32x128xf32> to vector<2x16x128xf32>
      %select_n3A_153 = arith.select %ge3A_141, %slice3A_151, %slice3A_152 : vector<2x16x128xi1>, vector<2x16x128xf32>
      %slice3A_154 = vector.extract_strided_slice %select_n3A_138 {offsets = [0, 0, 0], sizes = [2, 16, 128], strides = [1, 1, 1]} : vector<2x32x128xf32> to vector<2x16x128xf32>
      %slice3A_155 = vector.extract_strided_slice %select_n3A_138 {offsets = [0, 16, 0], sizes = [2, 16, 128], strides = [1, 1, 1]} : vector<2x32x128xf32> to vector<2x16x128xf32>
      %select_n3A_156 = arith.select %ge3A_141, %slice3A_154, %slice3A_155 : vector<2x16x128xi1>, vector<2x16x128xf32>
      %slice3A_157 = vector.extract_strided_slice %select_n3A_144 {offsets = [0, 0, 0], sizes = [2, 8, 128], strides = [1, 1, 1]} : vector<2x16x128xf32> to vector<2x8x128xf32>
      %slice3A_158 = vector.extract_strided_slice %select_n3A_144 {offsets = [0, 8, 0], sizes = [2, 8, 128], strides = [1, 1, 1]} : vector<2x16x128xf32> to vector<2x8x128xf32>
      %ge3A_159 = arith.cmpf oge, %slice3A_157, %slice3A_158 : vector<2x8x128xf32>
      %slice3A_160 = vector.extract_strided_slice %select_n3A_144 {offsets = [0, 0, 0], sizes = [2, 8, 128], strides = [1, 1, 1]} : vector<2x16x128xf32> to vector<2x8x128xf32>
      %slice3A_161 = vector.extract_strided_slice %select_n3A_144 {offsets = [0, 8, 0], sizes = [2, 8, 128], strides = [1, 1, 1]} : vector<2x16x128xf32> to vector<2x8x128xf32>
      %select_n3A_162 = arith.select %ge3A_159, %slice3A_160, %slice3A_161 : vector<2x8x128xi1>, vector<2x8x128xf32>
      %slice3A_163 = vector.extract_strided_slice %select_n3A_147 {offsets = [0, 0, 0], sizes = [2, 8, 128], strides = [1, 1, 1]} : vector<2x16x128xi32> to vector<2x8x128xi32>
      %slice3A_164 = vector.extract_strided_slice %select_n3A_147 {offsets = [0, 8, 0], sizes = [2, 8, 128], strides = [1, 1, 1]} : vector<2x16x128xi32> to vector<2x8x128xi32>
      %select_n3A_165 = arith.select %ge3A_159, %slice3A_163, %slice3A_164 : vector<2x8x128xi1>, vector<2x8x128xi32>
      %slice3A_166 = vector.extract_strided_slice %select_n3A_150 {offsets = [0, 0, 0], sizes = [2, 8, 128], strides = [1, 1, 1]} : vector<2x16x128xf32> to vector<2x8x128xf32>
      %slice3A_167 = vector.extract_strided_slice %select_n3A_150 {offsets = [0, 8, 0], sizes = [2, 8, 128], strides = [1, 1, 1]} : vector<2x16x128xf32> to vector<2x8x128xf32>
      %select_n3A_168 = arith.select %ge3A_159, %slice3A_166, %slice3A_167 : vector<2x8x128xi1>, vector<2x8x128xf32>
      %slice3A_169 = vector.extract_strided_slice %select_n3A_153 {offsets = [0, 0, 0], sizes = [2, 8, 128], strides = [1, 1, 1]} : vector<2x16x128xf32> to vector<2x8x128xf32>
      %slice3A_170 = vector.extract_strided_slice %select_n3A_153 {offsets = [0, 8, 0], sizes = [2, 8, 128], strides = [1, 1, 1]} : vector<2x16x128xf32> to vector<2x8x128xf32>
      %select_n3A_171 = arith.select %ge3A_159, %slice3A_169, %slice3A_170 : vector<2x8x128xi1>, vector<2x8x128xf32>
      %slice3A_172 = vector.extract_strided_slice %select_n3A_156 {offsets = [0, 0, 0], sizes = [2, 8, 128], strides = [1, 1, 1]} : vector<2x16x128xf32> to vector<2x8x128xf32>
      %slice3A_173 = vector.extract_strided_slice %select_n3A_156 {offsets = [0, 8, 0], sizes = [2, 8, 128], strides = [1, 1, 1]} : vector<2x16x128xf32> to vector<2x8x128xf32>
      %select_n3A_174 = arith.select %ge3A_159, %slice3A_172, %slice3A_173 : vector<2x8x128xi1>, vector<2x8x128xf32>
      %reduce_max3A = arith.constant dense<0xFF800000> : vector<2x8xf32>
      %reduce_max3A_175 = vector.multi_reduction <maximumf>, %select_n3A_162, %reduce_max3A [2] : vector<2x8x128xf32> to vector<2x8xf32>
      %broadcast_in_dim3A_176 = vector.shape_cast %reduce_max3A_175 : vector<2x8xf32> to vector<2x8x1xf32>
      %reduce_max3A_177 = arith.constant dense<0xFF800000> : vector<2x1xf32>
      %reduce_max3A_178 = vector.multi_reduction <maximumf>, %broadcast_in_dim3A_176, %reduce_max3A_177 [1] : vector<2x8x1xf32> to vector<2x1xf32>
      %broadcast_in_dim3A_179 = vector.shape_cast %reduce_max3A_178 : vector<2x1xf32> to vector<2x1x1xf32>
      %eq3A_180 = vector.broadcast %broadcast_in_dim3A_179 : vector<2x1x1xf32> to vector<2x8x128xf32>
      %eq3A_181 = arith.cmpf oeq, %select_n3A_162, %eq3A_180 : vector<2x8x128xf32>
      %jit3A = arith.constant 2147483647 : i32
      %broadcast_in_dim3A_182 = vector.broadcast %jit3A : i32 to vector<2x8x128xi32>
      %select_n3A_183 = arith.select %eq3A_181, %select_n3A_165, %broadcast_in_dim3A_182 : vector<2x8x128xi1>, vector<2x8x128xi32>
      %reduce_min3A = arith.constant dense<2147483647> : vector<2x8xi32>
      %reduce_min3A_184 = vector.multi_reduction <minsi>, %select_n3A_183, %reduce_min3A [2] : vector<2x8x128xi32> to vector<2x8xi32>
      %broadcast_in_dim3A_185 = vector.shape_cast %reduce_min3A_184 : vector<2x8xi32> to vector<2x8x1xi32>
      %reduce_min3A_186 = arith.constant dense<2147483647> : vector<2x1xi32>
      %reduce_min3A_187 = vector.multi_reduction <minsi>, %broadcast_in_dim3A_185, %reduce_min3A_186 [1] : vector<2x8x1xi32> to vector<2x1xi32>
      %broadcast_in_dim3A_188 = vector.shape_cast %reduce_min3A_187 : vector<2x1xi32> to vector<2x1x1xi32>
      %eq3A_189 = vector.broadcast %broadcast_in_dim3A_188 : vector<2x1x1xi32> to vector<2x8x128xi32>
      %eq3A_190 = arith.cmpi eq, %select_n3A_165, %eq3A_189 : vector<2x8x128xi32>
      %jit3A_191 = arith.constant 0.000000e+00 : f32
      %broadcast_in_dim3A_192 = vector.broadcast %jit3A_191 : f32 to vector<2x8x128xf32>
      %select_n3A_193 = arith.select %eq3A_190, %select_n3A_168, %broadcast_in_dim3A_192 : vector<2x8x128xi1>, vector<2x8x128xf32>
      %reduce_sum3A = arith.constant dense<0.000000e+00> : vector<2x8xf32>
      %reduce_sum3A_194 = vector.multi_reduction <add>, %select_n3A_193, %reduce_sum3A [2] : vector<2x8x128xf32> to vector<2x8xf32>
      %broadcast_in_dim3A_195 = vector.shape_cast %reduce_sum3A_194 : vector<2x8xf32> to vector<2x8x1xf32>
      %reduce_sum3A_196 = arith.constant dense<0.000000e+00> : vector<2x1xf32>
      %reduce_sum3A_197 = vector.multi_reduction <add>, %broadcast_in_dim3A_195, %reduce_sum3A_196 [1] : vector<2x8x1xf32> to vector<2x1xf32>
      %broadcast_in_dim3A_198 = vector.shape_cast %reduce_sum3A_197 : vector<2x1xf32> to vector<2x1x1xf32>
      %jit3A_199 = arith.constant 0.000000e+00 : f32
      %broadcast_in_dim3A_200 = vector.broadcast %jit3A_199 : f32 to vector<2x8x128xf32>
      %select_n3A_201 = arith.select %eq3A_190, %select_n3A_171, %broadcast_in_dim3A_200 : vector<2x8x128xi1>, vector<2x8x128xf32>
      %reduce_sum3A_202 = arith.constant dense<0.000000e+00> : vector<2x8xf32>
      %reduce_sum3A_203 = vector.multi_reduction <add>, %select_n3A_201, %reduce_sum3A_202 [2] : vector<2x8x128xf32> to vector<2x8xf32>
      %broadcast_in_dim3A_204 = vector.shape_cast %reduce_sum3A_203 : vector<2x8xf32> to vector<2x8x1xf32>
      %reduce_sum3A_205 = arith.constant dense<0.000000e+00> : vector<2x1xf32>
      %reduce_sum3A_206 = vector.multi_reduction <add>, %broadcast_in_dim3A_204, %reduce_sum3A_205 [1] : vector<2x8x1xf32> to vector<2x1xf32>
      %broadcast_in_dim3A_207 = vector.shape_cast %reduce_sum3A_206 : vector<2x1xf32> to vector<2x1x1xf32>
      %jit3A_208 = arith.constant 0.000000e+00 : f32
      %broadcast_in_dim3A_209 = vector.broadcast %jit3A_208 : f32 to vector<2x8x128xf32>
      %select_n3A_210 = arith.select %eq3A_190, %select_n3A_174, %broadcast_in_dim3A_209 : vector<2x8x128xi1>, vector<2x8x128xf32>
      %reduce_sum3A_211 = arith.constant dense<0.000000e+00> : vector<2x8xf32>
      %reduce_sum3A_212 = vector.multi_reduction <add>, %select_n3A_210, %reduce_sum3A_211 [2] : vector<2x8x128xf32> to vector<2x8xf32>
      %broadcast_in_dim3A_213 = vector.shape_cast %reduce_sum3A_212 : vector<2x8xf32> to vector<2x8x1xf32>
      %reduce_sum3A_214 = arith.constant dense<0.000000e+00> : vector<2x1xf32>
      %reduce_sum3A_215 = vector.multi_reduction <add>, %broadcast_in_dim3A_213, %reduce_sum3A_214 [1] : vector<2x8x1xf32> to vector<2x1xf32>
      %broadcast_in_dim3A_216 = vector.shape_cast %reduce_sum3A_215 : vector<2x1xf32> to vector<2x1x1xf32>
      scf.yield %broadcast_in_dim3A_188, %broadcast_in_dim3A_198, %broadcast_in_dim3A_207, %broadcast_in_dim3A_216, %min3A : vector<2x1x1xi32>, vector<2x1x1xf32>, vector<2x1x1xf32>, vector<2x1x1xf32>, vector<2x64x128xf32>
    }
    %scan3A_39 = arith.constant 2048 : i32
    return
  }
}

module attributes {stable_mosaic.version = 14 : i64} {
  func.func @_proj_body(%arg0: i32, %arg1: memref<1x3x8192xf32, #tpu.memory_space<vmem>>, %arg2: memref<1x64x8192xf32, #tpu.memory_space<vmem>>, %arg3: memref<128x3xf32, #tpu.memory_space<vmem>>, %arg4: memref<128x64xf32, #tpu.memory_space<vmem>>, %arg5: memref<8192x128xf32, #tpu.memory_space<vmem>>) attributes {dimension_semantics = [#tpu.dimension_semantics<arbitrary>], iteration_bounds = array<i64: 2>, scalar_prefetch = 0 : i64, scratch_operands = 0 : i64, tpu.core_type = #tpu.core_type<tc>, window_params = [{transform_indices = @transform_0, window_bounds = array<i64: 1, 3, 8192>}, {transform_indices = @transform_1, window_bounds = array<i64: 1, 64, 8192>}, {pipeline_mode = #tpu.pipeline_mode<synchronous>, transform_indices = @transform_2, window_bounds = array<i64: 128, 3>}, {pipeline_mode = #tpu.pipeline_mode<synchronous>, transform_indices = @transform_3, window_bounds = array<i64: 128, 64>}, {transform_indices = @transform_4, window_bounds = array<i64: 8192, 128>}]} {
    %get3A = arith.constant 0 : index
    %get3A_0 = arith.constant 0 : index
    %get3A_1 = arith.constant 0 : index
    %get3A_2 = vector.load %arg1[%get3A, %get3A_0, %get3A_1] : memref<1x3x8192xf32, #tpu.memory_space<vmem>>, vector<1x3x8192xf32>
    %get3A_3 = vector.shape_cast %get3A_2 : vector<1x3x8192xf32> to vector<3x8192xf32>
    %get3A_4 = arith.constant 0 : index
    %get3A_5 = arith.constant 0 : index
    %get3A_6 = arith.constant 0 : index
    %get3A_7 = vector.load %arg2[%get3A_4, %get3A_5, %get3A_6] : memref<1x64x8192xf32, #tpu.memory_space<vmem>>, vector<1x64x8192xf32>
    %get3A_8 = vector.shape_cast %get3A_7 : vector<1x64x8192xf32> to vector<64x8192xf32>
    %get3A_9 = arith.constant 0 : index
    %get3A_10 = arith.constant 0 : index
    %get3A_11 = vector.load %arg3[%get3A_9, %get3A_10] : memref<128x3xf32, #tpu.memory_space<vmem>>, vector<128x3xf32>
    %dot_general3A = arith.constant dense<0.000000e+00> : vector<128x8192xf32>
    %dot_general3A_12 = tpu.matmul %get3A_11, %get3A_3, %dot_general3A {dimension_numbers = #tpu.dot_dimension_numbers<[1], [0], [0], [1], [0, 0, 1, 1], [], []>, transpose_lhs_hint = false} : vector<128x3xf32>, vector<3x8192xf32>, vector<128x8192xf32> -> vector<128x8192xf32>
    %get3A_13 = arith.constant 0 : index
    %get3A_14 = arith.constant 0 : index
    %get3A_15 = vector.load %arg4[%get3A_13, %get3A_14] : memref<128x64xf32, #tpu.memory_space<vmem>>, vector<128x64xf32>
    %dot_general3A_16 = arith.constant dense<0.000000e+00> : vector<128x8192xf32>
    %dot_general3A_17 = tpu.matmul %get3A_15, %get3A_8, %dot_general3A_16 {dimension_numbers = #tpu.dot_dimension_numbers<[1], [0], [0], [1], [0, 0, 1, 1], [], []>, transpose_lhs_hint = false} : vector<128x64xf32>, vector<64x8192xf32>, vector<128x8192xf32> -> vector<128x8192xf32>
    %add3A = arith.addf %dot_general3A_12, %dot_general3A_17 : vector<128x8192xf32>
    %transpose3A = tpu.transpose %add3A, [1, 0] : vector<128x8192xf32> -> vector<8192x128xf32>
    %swap3A = arith.constant 0 : index
    %swap3A_18 = arith.constant 0 : index
    %swap3A_19 = vector.load %arg5[%swap3A, %swap3A_18] : memref<8192x128xf32, #tpu.memory_space<vmem>>, vector<8192x128xf32>
    tpu.vector_store %arg5[%swap3A, %swap3A_18], %transpose3A {strides = array<i32>} : memref<8192x128xf32, #tpu.memory_space<vmem>>, vector<8192x128xf32>,
    return
  }
  func.func @transform_0(%arg0: i32) -> (i32, i32, i32) {
    %c0_i32 = arith.constant 0 : i32
    %c0_i32_0 = arith.constant 0 : i32
    %c0_i32_1 = arith.constant 0 : i32
    return %arg0, %c0_i32, %c0_i32_0 : i32, i32, i32
  }
  func.func @transform_1(%arg0: i32) -> (i32, i32, i32) {
    %c0_i32 = arith.constant 0 : i32
    %c0_i32_0 = arith.constant 0 : i32
    %c0_i32_1 = arith.constant 0 : i32
    return %arg0, %c0_i32, %c0_i32_0 : i32, i32, i32
  }
  func.func @transform_2(%arg0: i32) -> (i32, i32) {
    %c0_i32 = arith.constant 0 : i32
    %c0_i32_0 = arith.constant 0 : i32
    %c0_i32_1 = arith.constant 0 : i32
    return %c0_i32, %c0_i32_0 : i32, i32
  }
  func.func @transform_3(%arg0: i32) -> (i32, i32) {
    %c0_i32 = arith.constant 0 : i32
    %c0_i32_0 = arith.constant 0 : i32
    %c0_i32_1 = arith.constant 0 : i32
    return %c0_i32, %c0_i32_0 : i32, i32
  }
  func.func @transform_4(%arg0: i32) -> (i32, i32) {
    %c0_i32 = arith.constant 0 : i32
    %c0_i32_0 = arith.constant 0 : i32
    return %arg0, %c0_i32 : i32, i32
  }
}

module attributes {stable_mosaic.version = 14 : i64} {
  func.func @_tail_body(%arg0: i32, %arg1: memref<512x16x128xf32, #tpu.memory_space<vmem>>, %arg2: memref<1x3x512xf32, #tpu.memory_space<vmem>>, %arg3: memref<128x3xf32, #tpu.memory_space<vmem>>, %arg4: memref<64x128xf32, #tpu.memory_space<vmem>>, %arg5: memref<64x16xf32, #tpu.memory_space<vmem>>, %arg6: memref<16x128xf32, #tpu.memory_space<vmem>>, %arg7: memref<16x16xf32, #tpu.memory_space<vmem>>, %arg8: memref<16x16xf32, #tpu.memory_space<vmem>>, %arg9: memref<64x64xf32, #tpu.memory_space<vmem>>, %arg10: memref<1x64x512xf32, #tpu.memory_space<vmem>>) attributes {dimension_semantics = [#tpu.dimension_semantics<arbitrary>], iteration_bounds = array<i64: 8>, scalar_prefetch = 0 : i64, scratch_operands = 0 : i64, tpu.core_type = #tpu.core_type<tc>, window_params = [{transform_indices = @transform_0, window_bounds = array<i64: 512, 16, 128>}, {transform_indices = @transform_1, window_bounds = array<i64: 1, 3, 512>}, {pipeline_mode = #tpu.pipeline_mode<synchronous>, transform_indices = @transform_2, window_bounds = array<i64: 128, 3>}, {pipeline_mode = #tpu.pipeline_mode<synchronous>, transform_indices = @transform_3, window_bounds = array<i64: 64, 128>}, {pipeline_mode = #tpu.pipeline_mode<synchronous>, transform_indices = @transform_4, window_bounds = array<i64: 64, 16>}, {pipeline_mode = #tpu.pipeline_mode<synchronous>, transform_indices = @transform_5, window_bounds = array<i64: 16, 128>}, {pipeline_mode = #tpu.pipeline_mode<synchronous>, transform_indices = @transform_6, window_bounds = array<i64: 16, 16>}, {pipeline_mode = #tpu.pipeline_mode<synchronous>, transform_indices = @transform_7, window_bounds = array<i64: 16, 16>}, {pipeline_mode = #tpu.pipeline_mode<synchronous>, transform_indices = @transform_8, window_bounds = array<i64: 64, 64>}, {transform_indices = @transform_9, window_bounds = array<i64: 1, 64, 512>}]} {
    %get3A = arith.constant 0 : index
    %get3A_0 = arith.constant 0 : index
    %get3A_1 = arith.constant 0 : index
    %get3A_2 = vector.load %arg1[%get3A, %get3A_0, %get3A_1] : memref<512x16x128xf32, #tpu.memory_space<vmem>>, vector<512x16x128xf32>
    %get3A_3 = arith.constant 0 : index
    %get3A_4 = arith.constant 0 : index
    %get3A_5 = arith.constant 0 : index
    %get3A_6 = vector.load %arg2[%get3A_3, %get3A_4, %get3A_5] : memref<1x3x512xf32, #tpu.memory_space<vmem>>, vector<1x3x512xf32>
    %get3A_7 = vector.shape_cast %get3A_6 : vector<1x3x512xf32> to vector<3x512xf32>
    %get3A_8 = arith.constant 0 : index
    %get3A_9 = arith.constant 0 : index
    %get3A_10 = vector.load %arg3[%get3A_8, %get3A_9] : memref<128x3xf32, #tpu.memory_space<vmem>>, vector<128x3xf32>
    %dot_general3A = arith.constant dense<0.000000e+00> : vector<512x128xf32>
    %dot_general3A_11 = tpu.matmul %get3A_7, %get3A_10, %dot_general3A {dimension_numbers = #tpu.dot_dimension_numbers<[0], [1], [1], [0], [0, 1, 1, 0], [], []>, transpose_lhs_hint = false} : vector<3x512xf32>, vector<128x3xf32>, vector<512x128xf32> -> vector<512x128xf32>
    %broadcast_in_dim3A = vector.shape_cast %dot_general3A_11 : vector<512x128xf32> to vector<512x1x128xf32>
    %sub3A = vector.broadcast %broadcast_in_dim3A : vector<512x1x128xf32> to vector<512x16x128xf32>
    %sub3A_12 = arith.subf %get3A_2, %sub3A : vector<512x16x128xf32>
    %ge3A = arith.constant 0.000000e+00 : f32
    %ge3A_13 = vector.broadcast %ge3A : f32 to vector<512x16x128xf32>
    %ge3A_14 = arith.cmpf oge, %sub3A_12, %ge3A_13 : vector<512x16x128xf32>
    %mul3A = arith.constant 1.000000e-01 : f32
    %mul3A_15 = vector.broadcast %mul3A : f32 to vector<512x16x128xf32>
    %mul3A_16 = arith.mulf %mul3A_15, %sub3A_12 : vector<512x16x128xf32>
    %select_n3A = arith.select %ge3A_14, %sub3A_12, %mul3A_16 : vector<512x16x128xi1>, vector<512x16x128xf32>
    %reduce_sum3A = arith.constant dense<0.000000e+00> : vector<512x128xf32>
    %reduce_sum3A_17 = vector.multi_reduction <add>, %select_n3A, %reduce_sum3A [1] : vector<512x16x128xf32> to vector<512x128xf32>
    %mul3A_18 = arith.constant 6.250000e-02 : f32
    %mul3A_19 = vector.broadcast %mul3A_18 : f32 to vector<512x128xf32>
    %mul3A_20 = arith.mulf %reduce_sum3A_17, %mul3A_19 : vector<512x128xf32>
    %reduce_sum3A_21 = arith.constant dense<0.000000e+00> : vector<512x16xf32>
    %reduce_sum3A_22 = vector.multi_reduction <add>, %select_n3A, %reduce_sum3A_21 [2] : vector<512x16x128xf32> to vector<512x16xf32>
    %mul3A_23 = arith.constant 1.562500e-02 : f32
    %mul3A_24 = vector.broadcast %mul3A_23 : f32 to vector<512x16xf32>
    %mul3A_25 = arith.mulf %reduce_sum3A_22, %mul3A_24 : vector<512x16xf32>
    %get3A_26 = arith.constant 0 : index
    %get3A_27 = arith.constant 0 : index
    %get3A_28 = vector.load %arg4[%get3A_26, %get3A_27] : memref<64x128xf32, #tpu.memory_space<vmem>>, vector<64x128xf32>
    %dot_general3A_29 = arith.constant dense<0.000000e+00> : vector<512x64xf32>
    %dot_general3A_30 = tpu.matmul %mul3A_20, %get3A_28, %dot_general3A_29 {dimension_numbers = #tpu.dot_dimension_numbers<[1], [1], [0], [0], [0, 0, 1, 0], [], []>, transpose_lhs_hint = false} : vector<512x128xf32>, vector<64x128xf32>, vector<512x64xf32> -> vector<512x64xf32>
    %get3A_31 = arith.constant 0 : index
    %get3A_32 = arith.constant 0 : index
    %get3A_33 = vector.load %arg5[%get3A_31, %get3A_32] : memref<64x16xf32, #tpu.memory_space<vmem>>, vector<64x16xf32>
    %dot_general3A_34 = arith.constant dense<0.000000e+00> : vector<512x64xf32>
    %dot_general3A_35 = tpu.matmul %mul3A_25, %get3A_33, %dot_general3A_34 {dimension_numbers = #tpu.dot_dimension_numbers<[1], [1], [0], [0], [0, 0, 1, 0], [], []>, transpose_lhs_hint = false} : vector<512x16xf32>, vector<64x16xf32>, vector<512x64xf32> -> vector<512x64xf32>
    %add3A = arith.addf %dot_general3A_30, %dot_general3A_35 : vector<512x64xf32>
    %ge3A_36 = arith.constant 0.000000e+00 : f32
    %ge3A_37 = vector.broadcast %ge3A_36 : f32 to vector<512x64xf32>
    %ge3A_38 = arith.cmpf oge, %add3A, %ge3A_37 : vector<512x64xf32>
    %mul3A_39 = arith.constant 1.000000e-01 : f32
    %mul3A_40 = vector.broadcast %mul3A_39 : f32 to vector<512x64xf32>
    %mul3A_41 = arith.mulf %mul3A_40, %add3A : vector<512x64xf32>
    %select_n3A_42 = arith.select %ge3A_38, %add3A, %mul3A_41 : vector<512x64xi1>, vector<512x64xf32>
    %get3A_43 = arith.constant 0 : index
    %get3A_44 = arith.constant 0 : index
    %get3A_45 = vector.load %arg6[%get3A_43, %get3A_44] : memref<16x128xf32, #tpu.memory_space<vmem>>, vector<16x128xf32>
    %dot_general3A_46 = arith.constant dense<0.000000e+00> : vector<512x16xf32>
    %dot_general3A_47 = tpu.matmul %mul3A_20, %get3A_45, %dot_general3A_46 {dimension_numbers = #tpu.dot_dimension_numbers<[1], [1], [0], [0], [0, 0, 1, 0], [], []>, transpose_lhs_hint = false} : vector<512x128xf32>, vector<16x128xf32>, vector<512x16xf32> -> vector<512x16xf32>
    %get3A_48 = arith.constant 0 : index
    %get3A_49 = arith.constant 0 : index
    %get3A_50 = vector.load %arg7[%get3A_48, %get3A_49] : memref<16x16xf32, #tpu.memory_space<vmem>>, vector<16x16xf32>
    %dot_general3A_51 = arith.constant dense<0.000000e+00> : vector<512x16xf32>
    %dot_general3A_52 = tpu.matmul %mul3A_25, %get3A_50, %dot_general3A_51 {dimension_numbers = #tpu.dot_dimension_numbers<[1], [1], [0], [0], [0, 0, 1, 0], [], []>, transpose_lhs_hint = false} : vector<512x16xf32>, vector<16x16xf32>, vector<512x16xf32> -> vector<512x16xf32>
    %add3A_53 = arith.addf %dot_general3A_47, %dot_general3A_52 : vector<512x16xf32>
    %ge3A_54 = arith.constant 0.000000e+00 : f32
    %ge3A_55 = vector.broadcast %ge3A_54 : f32 to vector<512x16xf32>
    %ge3A_56 = arith.cmpf oge, %add3A_53, %ge3A_55 : vector<512x16xf32>
    %mul3A_57 = arith.constant 1.000000e-01 : f32
    %mul3A_58 = vector.broadcast %mul3A_57 : f32 to vector<512x16xf32>
    %mul3A_59 = arith.mulf %mul3A_58, %add3A_53 : vector<512x16xf32>
    %select_n3A_60 = arith.select %ge3A_56, %add3A_53, %mul3A_59 : vector<512x16xi1>, vector<512x16xf32>
    %get3A_61 = arith.constant 0 : index
    %get3A_62 = arith.constant 0 : index
    %get3A_63 = vector.load %arg8[%get3A_61, %get3A_62] : memref<16x16xf32, #tpu.memory_space<vmem>>, vector<16x16xf32>
    %dot_general3A_64 = arith.constant dense<0.000000e+00> : vector<512x16xf32>
    %dot_general3A_65 = tpu.matmul %select_n3A_60, %get3A_63, %dot_general3A_64 {dimension_numbers = #tpu.dot_dimension_numbers<[1], [1], [0], [0], [0, 0, 1, 0], [], []>, transpose_lhs_hint = false} : vector<512x16xf32>, vector<16x16xf32>, vector<512x16xf32> -> vector<512x16xf32>
    %neg3A = arith.constant 0.000000e+00 : f32
    %neg3A_66 = vector.broadcast %neg3A : f32 to vector<512x16xf32>
    %neg3A_67 = arith.subf %neg3A_66, %dot_general3A_65 : vector<512x16xf32>
    %exp3A = math.exp %neg3A_67 : vector<512x16xf32>
    %add3A_68 = arith.constant 1.000000e+00 : f32
    %add3A_69 = vector.broadcast %add3A_68 : f32 to vector<512x16xf32>
    %add3A_70 = arith.addf %add3A_69, %exp3A : vector<512x16xf32>
    %div3A = arith.constant 1.000000e+00 : f32
    %div3A_71 = vector.broadcast %div3A : f32 to vector<512x16xf32>
    %div3A_72 = arith.divf %div3A_71, %add3A_70 : vector<512x16xf32>
    %get3A_73 = arith.constant 0 : index
    %get3A_74 = arith.constant 0 : index
    %get3A_75 = vector.load %arg9[%get3A_73, %get3A_74] : memref<64x64xf32, #tpu.memory_space<vmem>>, vector<64x64xf32>
    %dot_general3A_76 = arith.constant dense<0.000000e+00> : vector<512x64xf32>
    %dot_general3A_77 = tpu.matmul %select_n3A_42, %get3A_75, %dot_general3A_76 {dimension_numbers = #tpu.dot_dimension_numbers<[1], [1], [0], [0], [0, 0, 1, 0], [], []>, transpose_lhs_hint = false} : vector<512x64xf32>, vector<64x64xf32>, vector<512x64xf32> -> vector<512x64xf32>
    %neg3A_78 = arith.constant 0.000000e+00 : f32
    %neg3A_79 = vector.broadcast %neg3A_78 : f32 to vector<512x64xf32>
    %neg3A_80 = arith.subf %neg3A_79, %dot_general3A_77 : vector<512x64xf32>
    %exp3A_81 = math.exp %neg3A_80 : vector<512x64xf32>
    %add3A_82 = arith.constant 1.000000e+00 : f32
    %add3A_83 = vector.broadcast %add3A_82 : f32 to vector<512x64xf32>
    %add3A_84 = arith.addf %add3A_83, %exp3A_81 : vector<512x64xf32>
    %div3A_85 = arith.constant 1.000000e+00 : f32
    %div3A_86 = vector.broadcast %div3A_85 : f32 to vector<512x64xf32>
    %div3A_87 = arith.divf %div3A_86, %add3A_84 : vector<512x64xf32>
    %broadcast_in_dim3A_88 = vector.shape_cast %div3A_72 : vector<512x16xf32> to vector<512x16x1xf32>
    %mul3A_89 = vector.broadcast %broadcast_in_dim3A_88 : vector<512x16x1xf32> to vector<512x16x128xf32>
    %mul3A_90 = arith.mulf %select_n3A, %mul3A_89 : vector<512x16x128xf32>
    %reduce_sum3A_91 = arith.constant dense<0.000000e+00> : vector<512x128xf32>
    %reduce_sum3A_92 = vector.multi_reduction <add>, %mul3A_90, %reduce_sum3A_91 [1] : vector<512x16x128xf32> to vector<512x128xf32>
    %transpose3A = tpu.transpose %reduce_sum3A_92, [1, 0] : vector<512x128xf32> -> vector<128x512xf32>
    %slice3A = vector.extract_strided_slice %transpose3A {offsets = [0, 0], sizes = [64, 512], strides = [1, 1]} : vector<128x512xf32> to vector<64x512xf32>
    %transpose3A_93 = tpu.transpose %div3A_87, [1, 0] : vector<512x64xf32> -> vector<64x512xf32>
    %mul3A_94 = arith.mulf %slice3A, %transpose3A_93 : vector<64x512xf32>
    %mul3A_95 = arith.constant 6.250000e-02 : f32
    %mul3A_96 = vector.broadcast %mul3A_95 : f32 to vector<64x512xf32>
    %mul3A_97 = arith.mulf %mul3A_94, %mul3A_96 : vector<64x512xf32>
    %swap3A = arith.constant 0 : index
    %swap3A_98 = arith.constant 0 : index
    %swap3A_99 = arith.constant 0 : index
    %swap3A_100 = vector.load %arg10[%swap3A, %swap3A_98, %swap3A_99] : memref<1x64x512xf32, #tpu.memory_space<vmem>>, vector<1x64x512xf32>
    %swap3A_101 = vector.shape_cast %swap3A_100 : vector<1x64x512xf32> to vector<64x512xf32>
    %swap3A_102 = vector.shape_cast %mul3A_97 : vector<64x512xf32> to vector<1x64x512xf32>
    tpu.vector_store %arg10[%swap3A, %swap3A_98, %swap3A_99], %swap3A_102 {strides = array<i32>} : memref<1x64x512xf32, #tpu.memory_space<vmem>>, vector<1x64x512xf32>,
    return
  }
  func.func @transform_0(%arg0: i32) -> (i32, i32, i32) {
    %c0_i32 = arith.constant 0 : i32
    %c0_i32_0 = arith.constant 0 : i32
    %c0_i32_1 = arith.constant 0 : i32
    return %arg0, %c0_i32, %c0_i32_0 : i32, i32, i32
  }
  func.func @transform_1(%arg0: i32) -> (i32, i32, i32) {
    %jit3A = arith.constant 4 : i32
    %div3A = arith.divsi %arg0, %jit3A : i32
    %sign3A = arith.constant 0 : i32
    %sign3A_0 = arith.cmpi sgt, %arg0, %sign3A : i32
    %sign3A_1 = arith.extui %sign3A_0 : i1 to i32
    %sign3A_2 = arith.constant 0 : i32
    %sign3A_3 = arith.cmpi slt, %arg0, %sign3A_2 : i32
    %sign3A_4 = arith.extui %sign3A_3 : i1 to i32
    %sign3A_5 = arith.subi %sign3A_1, %sign3A_4 : i32
    %sign3A_6 = arith.constant 0 : i32
    %sign3A_7 = arith.cmpi sgt, %jit3A, %sign3A_6 : i32
    %sign3A_8 = arith.extui %sign3A_7 : i1 to i32
    %sign3A_9 = arith.constant 0 : i32
    %sign3A_10 = arith.cmpi slt, %jit3A, %sign3A_9 : i32
    %sign3A_11 = arith.extui %sign3A_10 : i1 to i32
    %sign3A_12 = arith.subi %sign3A_8, %sign3A_11 : i32
    %ne3A = arith.cmpi ne, %sign3A_5, %sign3A_12 : i32
    %rem3A = arith.remsi %arg0, %jit3A : i32
    %ne3A_13 = arith.constant 0 : i32
    %ne3A_14 = arith.cmpi ne, %rem3A, %ne3A_13 : i32
    %and3A = arith.andi %ne3A, %ne3A_14 : i1
    %sub3A = arith.constant 1 : i32
    %sub3A_15 = arith.subi %div3A, %sub3A : i32
    %select_n3A = arith.select %and3A, %sub3A_15, %div3A : i32
    %jit3A_16 = arith.constant 4 : i32
    %eq3A = arith.constant 0 : i32
    %eq3A_17 = arith.cmpi eq, %jit3A_16, %eq3A : i32
    %jit3A_18 = arith.constant 1 : i32
    %select_n3A_19 = arith.select %eq3A_17, %jit3A_18, %jit3A_16 : i32
    %rem3A_20 = arith.remsi %arg0, %select_n3A_19 : i32
    %ne3A_21 = arith.constant 0 : i32
    %ne3A_22 = arith.cmpi ne, %rem3A_20, %ne3A_21 : i32
    %lt3A = arith.constant 0 : i32
    %lt3A_23 = arith.cmpi slt, %rem3A_20, %lt3A : i32
    %lt3A_24 = arith.constant 0 : i32
    %lt3A_25 = arith.cmpi slt, %select_n3A_19, %lt3A_24 : i32
    %ne3A_26 = arith.xori %lt3A_23, %lt3A_25 : i1
    %and3A_27 = arith.andi %ne3A_26, %ne3A_22 : i1
    %add3A = arith.addi %rem3A_20, %select_n3A_19 : i32
    %select_n3A_28 = arith.select %and3A_27, %add3A, %rem3A_20 : i32
    %c0_i32 = arith.constant 0 : i32
    %c0_i32_29 = arith.constant 0 : i32
    return %select_n3A, %c0_i32, %select_n3A_28 : i32, i32, i32
  }
  func.func @transform_2(%arg0: i32) -> (i32, i32) {
    %c0_i32 = arith.constant 0 : i32
    %c0_i32_0 = arith.constant 0 : i32
    %c0_i32_1 = arith.constant 0 : i32
    return %c0_i32, %c0_i32_0 : i32, i32
  }
  func.func @transform_3(%arg0: i32) -> (i32, i32) {
    %c0_i32 = arith.constant 0 : i32
    %c0_i32_0 = arith.constant 0 : i32
    %c0_i32_1 = arith.constant 0 : i32
    return %c0_i32, %c0_i32_0 : i32, i32
  }
  func.func @transform_4(%arg0: i32) -> (i32, i32) {
    %c0_i32 = arith.constant 0 : i32
    %c0_i32_0 = arith.constant 0 : i32
    %c0_i32_1 = arith.constant 0 : i32
    return %c0_i32, %c0_i32_0 : i32, i32
  }
  func.func @transform_5(%arg0: i32) -> (i32, i32) {
    %c0_i32 = arith.constant 0 : i32
    %c0_i32_0 = arith.constant 0 : i32
    %c0_i32_1 = arith.constant 0 : i32
    return %c0_i32, %c0_i32_0 : i32, i32
  }
  func.func @transform_6(%arg0: i32) -> (i32, i32) {
    %c0_i32 = arith.constant 0 : i32
    %c0_i32_0 = arith.constant 0 : i32
    %c0_i32_1 = arith.constant 0 : i32
    return %c0_i32, %c0_i32_0 : i32, i32
  }
  func.func @transform_7(%arg0: i32) -> (i32, i32) {
    %c0_i32 = arith.constant 0 : i32
    %c0_i32_0 = arith.constant 0 : i32
    %c0_i32_1 = arith.constant 0 : i32
    return %c0_i32, %c0_i32_0 : i32, i32
  }
  func.func @transform_8(%arg0: i32) -> (i32, i32) {
    %c0_i32 = arith.constant 0 : i32
    %c0_i32_0 = arith.constant 0 : i32
    %c0_i32_1 = arith.constant 0 : i32
    return %c0_i32, %c0_i32_0 : i32, i32
  }
  func.func @transform_9(%arg0: i32) -> (i32, i32, i32) {
    %jit3A = arith.constant 4 : i32
    %div3A = arith.divsi %arg0, %jit3A : i32
    %sign3A = arith.constant 0 : i32
    %sign3A_0 = arith.cmpi sgt, %arg0, %sign3A : i32
    %sign3A_1 = arith.extui %sign3A_0 : i1 to i32
    %sign3A_2 = arith.constant 0 : i32
    %sign3A_3 = arith.cmpi slt, %arg0, %sign3A_2 : i32
    %sign3A_4 = arith.extui %sign3A_3 : i1 to i32
    %sign3A_5 = arith.subi %sign3A_1, %sign3A_4 : i32
    %sign3A_6 = arith.constant 0 : i32
    %sign3A_7 = arith.cmpi sgt, %jit3A, %sign3A_6 : i32
    %sign3A_8 = arith.extui %sign3A_7 : i1 to i32
    %sign3A_9 = arith.constant 0 : i32
    %sign3A_10 = arith.cmpi slt, %jit3A, %sign3A_9 : i32
    %sign3A_11 = arith.extui %sign3A_10 : i1 to i32
    %sign3A_12 = arith.subi %sign3A_8, %sign3A_11 : i32
    %ne3A = arith.cmpi ne, %sign3A_5, %sign3A_12 : i32
    %rem3A = arith.remsi %arg0, %jit3A : i32
    %ne3A_13 = arith.constant 0 : i32
    %ne3A_14 = arith.cmpi ne, %rem3A, %ne3A_13 : i32
    %and3A = arith.andi %ne3A, %ne3A_14 : i1
    %sub3A = arith.constant 1 : i32
    %sub3A_15 = arith.subi %div3A, %sub3A : i32
    %select_n3A = arith.select %and3A, %sub3A_15, %div3A : i32
    %jit3A_16 = arith.constant 4 : i32
    %eq3A = arith.constant 0 : i32
    %eq3A_17 = arith.cmpi eq, %jit3A_16, %eq3A : i32
    %jit3A_18 = arith.constant 1 : i32
    %select_n3A_19 = arith.select %eq3A_17, %jit3A_18, %jit3A_16 : i32
    %rem3A_20 = arith.remsi %arg0, %select_n3A_19 : i32
    %ne3A_21 = arith.constant 0 : i32
    %ne3A_22 = arith.cmpi ne, %rem3A_20, %ne3A_21 : i32
    %lt3A = arith.constant 0 : i32
    %lt3A_23 = arith.cmpi slt, %rem3A_20, %lt3A : i32
    %lt3A_24 = arith.constant 0 : i32
    %lt3A_25 = arith.cmpi slt, %select_n3A_19, %lt3A_24 : i32
    %ne3A_26 = arith.xori %lt3A_23, %lt3A_25 : i1
    %and3A_27 = arith.andi %ne3A_26, %ne3A_22 : i1
    %add3A = arith.addi %rem3A_20, %select_n3A_19 : i32
    %select_n3A_28 = arith.select %and3A_27, %add3A, %rem3A_20 : i32
    %c0_i32 = arith.constant 0 : i32
    %c0_i32_29 = arith.constant 0 : i32
    return %select_n3A, %c0_i32, %select_n3A_28 : i32, i32, i32
  }
}

</mosaic_0001>

<sc_bundles>
// kernel: kernel.7.cloned.1.call-start
scs
__scs_entry_jumppad:
0x0: {  	(pc) =	sbr.rel $0x88, $3  }
0x1: {  	(tag) =	ssettag $0x0;
	lr =	simm.s32 $0x1  }
0x2: {  	[smem:$0x3F9B] =	sst lr;
	_ =	strace $0xD0000000  }
0x3: {  	_ = 	snop  }
0x4: {  	_ = 	snop  }
0x5: {  	_ = 	snop  }
0x6: {  	_ = 	snop  }
0x7: {  	_ = 	snop  }
__scs_overlays_trampoline_lowered:
0x8: {  	[smem:$0x3FAA] =	sst s0  }
0x9: {  	[smem:$0x3FAB] =	sst s1  }
0xa: {  	[smem:$0x3FAC] =	sst s2  }
0xb: {  	[smem:$0x3FAD] =	sst s3  }
0xc: {  	[smem:$0x3FAE] =	sst s4  }
0xd: {  	[smem:$0x3FAF] =	sst s5  }
0xe: {  	[smem:$0x3FB0] =	sst s6  }
0xf: {  	[smem:$0x3FB1] =	sst s7  }
0x10: {  	[smem:$0x3FB2] =	sst s8  }
0x11: {  	[smem:$0x3FB3] =	sst s9;
	s0 =	simm.s32 @!p0 $0x0  }
0x12: {  	s1 =	sld [smem:$0x3F99];
	s0 =	simm.s32 @p0 $0x1  }
0x13: {  	[smem:$0x3FB4] =	sst s0;
	s0 =	simm.s32 @!p1 $0x0  }
0x14: {  	s2 =	sld [smem:$0x3F98];
	s0 =	simm.s32 @p1 $0x1  }
0x15: {  	[smem:$0x3FB5] =	sst s0;
	s0 =	simm.s32 @!p2 $0x0  }
0x16: {  	s3 =	sld [smem:$0x3FDB];
	s0 =	simm.s32 @p2 $0x1  }
0x17: {  	s4 =	simm.s32 $0x1BF5;
	[smem:$0x3FB7] =	sst s0  }
0x18: {  	s0 =	sld [smem:$0x3F9A];
	_ =	swait.ge [sflag:s4], $0x0  }
0x19: {  	s7 =	sld [smem:$0x3F9B]  }
0x1a: {  	s8 =	sadd.s32 $0xFFFFE003, lr  }
0x1b: {  	s9 =	sadd.s32 $0xFFFFFEF7, lr;
	s5 =	simm.s32 $0xFFFFFFFF;
	p2 =	slt.u32 s8, $0xFFFFF086  }
0x1c: {  	p1 =	slt.u32 s9, $0xF7A;
	s5 =	simm.s32 @!p2 $0x0  }
0x1d: {  	s5 =	simm.s32 @p1 $0x1;
	p0 =	seq.s32 s7, s2  }
0x1e: {  	s7 =	smul.u32 @!p0 $0xF7A, s2;
	p2 =	seq.s32 @!p0 s5, $0x0  }
0x1f: {  	s9 =	smul.u32 $0xF7A, s1;
	s8 =	simm.s32 @!p0 $0x1BF5;
	p2 =	por !p2, p0  }
0x20: {  	[sflag:s8] =	ssyncset.s32 @!p0 $0xFFFFF086;
	s6 =	sadd.s32 @!p0 s3, s7;
	s7 =	simm.s32 @!p0 $0x108  }
0x21: {  	s3 =	sadd.s32 s3, s9;
	s6 =	sadd.s32 @!p0 $0x88, s6;
	s7 =	simm.s32 @p2 $0x1082  }
0x22: {  	[simem:s7], [sflag:s8] =	dma.local @!p0 [hbm:s6], $0xF7A  }
0x23: {  	s9 =	sor.u32 $0xD0000000, s2;
	s6 =	simm.s32 $0x108;
	_ =	swait.ge @!p0 [sflag:s8], $0x0  }
0x24: {  	s3 =	sadd.s32 $0x88, s3;
	s6 =	simm.s32 @!p1 $0x1082;
	[sflag:s4] =	ssyncset.s32 $0xFFFFF086  }
0x25: {  	[simem:s6], [sflag:s4] =	dma.local [hbm:s3], $0xF7A  }
0x26: {  	[smem:$0x3F9B] =	sst s1;
	(tag) =	ssettag s2;
	_ =	strace s9  }
0x27: {  	s1 =	sld [smem:$0x3FAB]  }
0x28: {  	s2 =	sld [smem:$0x3FAC]  }
0x29: {  	s4 =	sld [smem:$0x3FAE]  }
0x2a: {  	p0 =	seq.s32 s5, $0x0;
	s5 =	sld [smem:$0x3FAF]  }
0x2b: {  	s6 =	sld [smem:$0x3FB0]  }
0x2c: {  	s7 =	sld [smem:$0x3FB1]  }
0x2d: {  	s3 =	simm.s32 $0x108;
	s8 =	sld [smem:$0x3FB2]  }
0x2e: {  	s3 =	simm.s32 @!p0 $0x1082;
	s9 =	sld [smem:$0x3FB3]  }
0x2f: {  	lr =	sadd.s32 s0, s3;
	s0 =	sld [smem:$0x3FAA]  }
0x30: {  	s3 =	sld [smem:$0x3FAD]  }
0x31: {  	[smem:$0x3FB6] =	sst s10  }
0x32: {  	s10 =	sld [smem:$0x3FB4];
	_ =	sdelay $0x3  }
0x33: {  	p0 =	seq.s32 s10, $0x1;
	s10 =	sld [smem:$0x3FB6];
	_ =	sdelay $0x3  }
0x34: {  	[smem:$0x3FB6] =	sst s10  }
0x35: {  	s10 =	sld [smem:$0x3FB5];
	_ =	sdelay $0x3  }
0x36: {  	p1 =	seq.s32 s10, $0x1;
	s10 =	sld [smem:$0x3FB6];
	_ =	sdelay $0x3  }
0x37: {  	[smem:$0x3FB6] =	sst s10  }
0x38: {  	s10 =	sld [smem:$0x3FB7]  }
0x39: {  	_ = 	snop;
	(pc) =	sbr.ind lr, $3  }
0x3a: {  	_ = 	snop  }
0x3b: {  	_ = 	snop  }
0x3c: {  	p2 =	seq.s32 s10, $0x1;
	s10 =	sld [smem:$0x3FB6]  }
0x3d: {  	_ =	shalt  }
0x3e: {  	_ =	shalt  }
0x3f: {  	_ =	shalt  }
0x40: {  	_ =	shalt  }
0x41: {  	_ =	shalt  }
0x42: {  	_ =	shalt  }
0x43: {  	_ =	shalt  }
0x44: {  	_ =	shalt  }
0x45: {  	_ =	shalt  }
0x46: {  	_ =	shalt  }
0x47: {  	_ =	shalt  }
0x48: {  	_ =	shalt  }
0x49: {  	_ =	shalt  }
0x4a: {  	_ =	shalt  }
0x4b: {  	_ =	shalt  }
0x4c: {  	_ =	shalt  }
0x4d: {  	_ =	shalt  }
0x4e: {  	_ =	shalt  }
0x4f: {  	_ =	shalt  }
0x50: {  	_ =	shalt  }
0x51: {  	_ =	shalt  }
0x52: {  	_ =	shalt  }
0x53: {  	_ =	shalt  }
0x54: {  	_ =	shalt  }
0x55: {  	_ =	shalt  }
0x56: {  	_ =	shalt  }
0x57: {  	_ =	shalt  }
0x58: {  	_ =	shalt  }
0x59: {  	_ =	shalt  }
0x5a: {  	_ =	shalt  }
0x5b: {  	_ =	shalt  }
0x5c: {  	_ =	shalt  }
0x5d: {  	_ =	shalt  }
0x5e: {  	_ =	shalt  }
0x5f: {  	_ =	shalt  }
0x60: {  	_ =	shalt  }
0x61: {  	_ =	shalt  }
0x62: {  	_ =	shalt  }
0x63: {  	_ =	shalt  }
0x64: {  	_ =	shalt  }
0x65: {  	_ =	shalt  }
0x66: {  	_ =	shalt  }
0x67: {  	_ =	shalt  }
0x68: {  	_ =	shalt  }
0x69: {  	_ =	shalt  }
0x6a: {  	_ =	shalt  }
0x6b: {  	_ =	shalt  }
0x6c: {  	_ =	shalt  }
0x6d: {  	_ =	shalt  }
0x6e: {  	_ =	shalt  }
0x6f: {  	_ =	shalt  }
0x70: {  	_ =	shalt  }
0x71: {  	_ =	shalt  }
0x72: {  	_ =	shalt  }
0x73: {  	_ =	shalt  }
0x74: {  	_ =	shalt  }
0x75: {  	_ =	shalt  }
0x76: {  	_ =	shalt  }
0x77: {  	_ =	shalt  }
0x78: {  	_ =	shalt  }
0x79: {  	_ =	shalt  }
0x7a: {  	_ =	shalt  }
0x7b: {  	_ =	shalt  }
0x7c: {  	_ =	shalt  }
0x7d: {  	_ =	shalt  }
0x7e: {  	_ =	shalt  }
0x7f: {  	_ =	shalt  }
0x80: {  	_ =	shalt  }
0x81: {  	_ =	shalt  }
0x82: {  	_ =	shalt  }
0x83: {  	_ =	shalt  }
0x84: {  	_ =	shalt  }
0x85: {  	_ =	shalt  }
0x86: {  	_ =	shalt  }
0x87: {  	_ =	shalt  }
.Lfunc_end0:
.L_simem_size_0:
called_computation_lowered:
.L_overlay_start_0:
0x88: {  	s2 =	sld [smem:$0x3FD9]  }
0x89: {  	s3 =	sld [smem:$0x3FFE];
	_ =	sdelay $0x1  }
0x8a: {  	s1 =	srdreg.scid  }
0x8b: {  	s0 =	sand.u32 $0x1, s1  }
0x8c: {  	s14 =	sshll.u32 s0, $0xA;
	s2 =	sadd.s32 s3, s2  }
0x8d: {  	s2 =	sadd.s32 s2, s14  }
0x8e: {  	[smem:$0x3FC2] =	sst s2  }
0x8f: {  	_ = 	snop  }
0x90: {  	s2 =	sld [smem:$0x3FD0];
	_ =	sdelay $0x2  }
0x91: {  	s15 =	simm.s32 $0xA;
	s4 =	simm.s32 $0x10  }
0x92: {  	[smem:s4], [sflag:s15] =	dma.local [hbm:s2], $0x1  }
0x93: {  	_ =	swait.eq [sflag:s15], $0x1  }
0x94: {  	[sflag:s15] =	ssyncset.done $0x0  }
0x95: {  	[sflag:s15] =	ssyncadd.s32 $0xFFFFFFFF  }
0x96: {  	s16 =	sld [smem:$0x11];
	(tm) =	ssettm $0x1  }
0x97: {  	s17 =	sld [smem:$0x3FFB];
	_ =	sdelay $0x3  }
0x98: {  	_ =	strace s17  }
0x99: {  	s3 =	sld [smem:$0x3FFC];
	_ =	sdelay $0x3  }
0x9a: {  	_ =	strace s3  }
0x9b: {  	s3 =	sld [smem:$0x3FFD];
	_ =	sdelay $0x3  }
0x9c: {  	_ =	strace s3  }
0x9d: {  	_ =	strace $0x8FFFFFFF  }
0x9e: {  	s18 =	sld [smem:$0x3FDB];
	_ =	sdelay $0x1  }
0x9f: {  	s19 =	simm.s32 $_scs_section_size  }
0xa0: {  	s5 =	simm.s32 $_size__tile_overlayer_lowered;
	s6 =	simm.s32 $_tile_overlayer_lowered  }
0xa1: {  	s22 =	simm.s32 $0x1BFF;
	s21 =	sshll.u32 s6, $0x1;
	s3 =	sadd.s32 s19, s18  }
0xa2: {  	s7 =	simm.s32 $0x0;
	s20 =	sshll.u32 s5, $0x1;
	s5 =	sadd.s32 s21, s3  }
0xa3: {  	[timem:s7], [sflag:s22] =	dma.local [hbm:s5], s20  }
0xa4: {  	_ =	swait.ge [sflag:s22], s20  }
0xa5: {  	s4 =	ssub.s32 $0x0, s20;
	[sflag:s22] =	ssyncset.done $0x0  }
0xa6: {  	[sflag:s22] =	ssyncadd.s32 s4;
	_ =	sdelay $0x1  }
0xa7: {  	s23 =	simm.s32 $0x1B8B  }
0xa8: {  	_ =	swait.ge [sflag:s23], $0x1  }
0xa9: {  	[sflag:s23] =	ssyncset.done $0x0  }
0xaa: {  	s25 =	simm.s32 $0x1B8E;
	s24 =	sld [smem:$0x3FFE];
	[sflag:s23] =	ssyncadd.s32 $0xFFFFFFFF  }
0xab: {  	s26 =	simm.s32 $execute0_lowered;
	[smem:$0x3FD2] =	sst s25  }
0xac: {  	s5 =	sshll.u32 s26, $0x1;
	_ =	strace $0x80000046;
	[dreg:$0x1] =	wrdreg $0xFFFFFFFF  }
0xad: {  	s28 =	simm.s32 $_size_execute0_lowered;
	s3 =	sadd.s32 s3, s5;
	[dreg:$0x0] =	wrdreg $0x0  }
0xae: {  	s5 =	sshll.u32 s28, $0x1;
	[dreg:$0x2] =	wrdreg s3  }
0xaf: {  	[dreg:$0x3] =	wrdreg s5  }
0xb0: {  	[dreg:$0x4] =	wrdreg $0xC0  }
0xb1: {  	_ =	task [dreg:s7], $0x5FFFF  }
0xb2: {  	[dreg:$0x1] =	wrdreg $0xFFFFFFFF  }
0xb3: {  	[dreg:$0x0] =	wrdreg $0x60  }
0xb4: {  	[dreg:$0x2] =	wrdreg s24  }
0xb5: {  	[dreg:$0x3] =	wrdreg s16  }
0xb6: {  	[dreg:$0x4] =	wrdreg $0x9  }
0xb7: {  	_ =	task.clear_ibuf [dreg:s7], $0x5FFFF;
	_ =	strace $0x90000046  }
0xb8: {  	s29 =	simm.s32 $0x9;
	_ =	strace $0x80000048  }
0xb9: {  	_ =	swait.ge [sflag:s29], $0x1  }
0xba: {  	[sflag:s29] =	ssyncadd.s32 $0xFFFFFFFF  }
0xbb: {  	_ =	strace $0x90000048  }
0xbc: {  	_ =	sfence  }
0xbd: {  	s30 =	sld [smem:$0x0];
	_ =	sdelay $0x2  }
0xbe: {  	s31 =	sshll.u32 s1, $0xD;
	s1 =	sshrl.u32 s1, $0x2  }
0xbf: {  	s3 =	sand.u32 $0x4000, s31;
	s1 =	sadd.s32 s1, s30  }
0xc0: {  	s0 =	sor.u32 s3, s0;
	s1 =	sshll.u32 s1, $0x11  }
0xc1: {  	s0 =	sor.u32 s1, s0  }
0xc2: {  	s0 =	sadd.s32 $0x8F2B, s0  }
0xc3: {  	[sflag:s0] =	ssyncadd.remote.s32 $0x1  }
0xc4: {  	_ =	sfence.sel $0xFFFF  }
0xc5: {  	[dreg:$0x0] =	wrdreg $0xFFFFFFFF;
	(pc) =	sbr.abs _section_cstart, $3  }
0xc6: {  	[dreg:$0x1] =	wrdreg $0xFFFFFFFF  }
0xc7: {  	_ =	task.clear_ibuf [dreg:s7], $0x2FFFF;
	_ =	strace $0x9FFFFFFF  }
0xc8: {  	(tm) =	ssettm $0x7FFFFFFF  }
0xc9: {  	_ =	shalt  }
tec
execute0_lowered:
.L_overlay_start_1:
0x0: {  	(tag) =	ssettag $0x1  }
0x1: {  	s0 =	rddreg [dreg:$0x0];
	s1 =	srdreg.scid  }
0x2: {  	s2 =	stileid.u32;
	s3 =	rddreg [dreg:$0x1]  }
0x3: {  	s9 =	simm.s32 $0x80;
	s10 =	simm.s32 $0x800;
	s7 =	simm.s32 $0x4800  }
0x4: {  	s8 =	simm.s32 $0x2;
	s31 =	simm.s32 $0x100;
	s30 =	simm.s32 $0x180  }
0x5: {  	s29 =	simm.s32 $0x200;
	s28 =	simm.s32 $0x280;
	s26 =	simm.s32 $0x300  }
0x6: {  	s25 =	simm.s32 $0x380;
	s24 =	simm.s32 $0x400;
	s23 =	simm.s32 $0x480  }
0x7: {  	s1 =	sand.u32 $0x1, s1;
	s4 =	sshll.u32 s2, $0x1;
	s2 =	simm.s32 $0x0  }
0x8: {  	p0 =	por $0x0, $0x0;
	s4 =	sor.u32 s1, s4;
	[smem:$0x7FF] =	sst s2  }
0x9: {  	s1 =	ssub.s32 $0x2, s1;
	s5 =	sshll.u32 s4, $0xF;
	s4 =	sshll.u32 s4, $0x8  }
0xa: {  	_ =	strace $0x80000047;
	s5 =	sadd.s32 s5, s0;
	s3 =	sadd.s32 s3, s4  }
0xb: {  	s19 =	sshrl.u32 s1, $0x1;
	[dreg:$0x3] =	wrdreg s3;
	s12 =	sadd.s32 $0x41200, s5  }
0xc: {  	s1 =	ssub.s32 s1, s19;
	s13 =	sadd.s32 $0x41A00, s5;
	[dreg:$0x4] =	wrdreg s12  }
0xd: {  	s4 =	simm.s32 $0x3;
	s14 =	sadd.s32 $0x42200, s5;
	[dreg:$0x5] =	wrdreg s13  }
0xe: {  	s19 =	simm.s32 $0x680;
	s15 =	sadd.s32 $0x42A00, s5;
	[dreg:$0x6] =	wrdreg s14  }
0xf: {  	s16 =	sadd.s32 $0x43200, s5;
	s3 =	sadd.s32 $0x1200, s0;
	[dreg:$0x7] =	wrdreg s15  }
0x10: {  	s17 =	sadd.s32 $0x43A00, s5;
	s18 =	sadd.s32 $0x44200, s5;
	[dreg:$0x8] =	wrdreg s16  }
0x11: {  	s20 =	sadd.s32 $0x44A00, s5;
	s21 =	sadd.s32 $0x45200, s5;
	[dreg:$0x9] =	wrdreg s17  }
0x12: {  	s11 =	sadd.s32 $0x47A00, s5;
	s22 =	smax.u32 s1, $0x1;
	[dreg:$0xa] =	wrdreg s18  }
0x13: {  	s6 =	sadd.s32 $0x48200, s5;
	[dreg:$0xb] =	wrdreg s20;
	p1 =	sne.s32 s22, $0x1  }
.Ltmp0:
0x14: {  	[dreg:$0xc] =	wrdreg s21;
	s18 =	sadd.s32 $0x45A00, s5;
	(pc) =	sbr.rel @!p1 .LBB2_3-.Ltmp0, $4  }
0x15: {  	s16 =	sadd.s32 $0x46200, s5;
	s14 =	sadd.s32 $0x46A00, s5;
	s13 =	sadd.s32 $0x47200, s5  }
0x16: {  	s5 =	sadd.s32 $0x48A00, s5;
	s12 =	simm.s32 $0x1;
	s1 =	sadd.s32 $0xFFFFFFFF, s22  }
0x17: {  	s22 =	simm.s32 $0x500;
	s21 =	simm.s32 $0x580;
	s20 =	simm.s32 $0x600  }
0x18: {  	s17 =	simm.s32 $0x700;
	s15 =	simm.s32 $0x780;
	s0 =	rddreg [dreg:$0x3]  }
0x19: {  	[tilespmem:s2], [sflag:$0x3] =	stream.linear.gather [hbm4b:s0+s2], $0x800, $0x38;
	[tilespmem:$0x8800] =	vst v63  }
0x1a: {  	_ =	swait.ge [sflag:s4], $0x800  }
0x1b: {  	[sflag:s4] =	ssyncset.done $0x0  }
0x1c: {  	[sflag:s4] =	ssyncadd.s32 $0xFFFFF800  }
0x1d: {  	[tilespmem:s10], [sflag:$0x1] =	stream.indirect.gather [hbm4b:s3+s9], $0x80, s2, s9, $0xb8;
	[tilespmem:$0x8800] =	vst v63  }
0x1e: {  	_ =	swait.ge [sflag:s12], $0x4000  }
0x1f: {  	[sflag:s12] =	ssyncset.done $0x0  }
0x20: {  	[sflag:s12] =	ssyncadd.s32 $0xFFFFC000  }
0x21: {  	[tilespmem:s7], [sflag:$0x2] =	stream.indirect.gather [hbm4b:s3+s9], $0x80, s9, s9, $0xb8;
	[tilespmem:$0x8800] =	vst v63  }
0x22: {  	s0 =	rddreg [dreg:$0x4]  }
0x23: {  	[hbm4b:s0+s2] =	stream.linear.scatter [tilespmem:s10], [sflag:$0x3], $0x4000, $0x38;
	[tilespmem:$0x8800] =	vst v63  }
0x24: {  	_ =	swait.ge [sflag:s4], $0x4000  }
0x25: {  	[sflag:s4] =	ssyncset.done $0x0  }
0x26: {  	[sflag:s4] =	ssyncadd.s32 $0xFFFFC000  }
0x27: {  	_ =	swait.ge [sflag:s8], $0x4000  }
0x28: {  	[sflag:s8] =	ssyncset.done $0x0  }
0x29: {  	[sflag:s8] =	ssyncadd.s32 $0xFFFFC000  }
0x2a: {  	[tilespmem:s10], [sflag:$0x1] =	stream.indirect.gather [hbm4b:s3+s9], $0x80, s31, s9, $0xb8;
	[tilespmem:$0x8800] =	vst v63  }
0x2b: {  	s0 =	rddreg [dreg:$0x5]  }
0x2c: {  	[hbm4b:s0+s2] =	stream.linear.scatter [tilespmem:s7], [sflag:$0x3], $0x4000, $0x38;
	[tilespmem:$0x8800] =	vst v63  }
0x2d: {  	_ =	swait.ge [sflag:s4], $0x4000  }
0x2e: {  	[sflag:s4] =	ssyncset.done $0x0  }
0x2f: {  	[sflag:s4] =	ssyncadd.s32 $0xFFFFC000  }
0x30: {  	_ =	swait.ge [sflag:s12], $0x4000  }
0x31: {  	[sflag:s12] =	ssyncset.done $0x0  }
0x32: {  	[sflag:s12] =	ssyncadd.s32 $0xFFFFC000  }
0x33: {  	[tilespmem:s7], [sflag:$0x2] =	stream.indirect.gather [hbm4b:s3+s9], $0x80, s30, s9, $0xb8;
	[tilespmem:$0x8800] =	vst v63  }
0x34: {  	s0 =	rddreg [dreg:$0x6]  }
0x35: {  	[hbm4b:s0+s2] =	stream.linear.scatter [tilespmem:s10], [sflag:$0x3], $0x4000, $0x38;
	[tilespmem:$0x8800] =	vst v63  }
0x36: {  	_ =	swait.ge [sflag:s4], $0x4000  }
0x37: {  	[sflag:s4] =	ssyncset.done $0x0  }
0x38: {  	[sflag:s4] =	ssyncadd.s32 $0xFFFFC000  }
0x39: {  	_ =	swait.ge [sflag:s8], $0x4000  }
0x3a: {  	[sflag:s8] =	ssyncset.done $0x0  }
0x3b: {  	[sflag:s8] =	ssyncadd.s32 $0xFFFFC000  }
0x3c: {  	[tilespmem:s10], [sflag:$0x1] =	stream.indirect.gather [hbm4b:s3+s9], $0x80, s29, s9, $0xb8;
	[tilespmem:$0x8800] =	vst v63  }
0x3d: {  	s0 =	rddreg [dreg:$0x7]  }
0x3e: {  	[hbm4b:s0+s2] =	stream.linear.scatter [tilespmem:s7], [sflag:$0x3], $0x4000, $0x38;
	[tilespmem:$0x8800] =	vst v63  }
0x3f: {  	_ =	swait.ge [sflag:s4], $0x4000  }
0x40: {  	[sflag:s4] =	ssyncset.done $0x0  }
0x41: {  	[sflag:s4] =	ssyncadd.s32 $0xFFFFC000  }
0x42: {  	_ =	swait.ge [sflag:s12], $0x4000  }
0x43: {  	[sflag:s12] =	ssyncset.done $0x0  }
0x44: {  	[sflag:s12] =	ssyncadd.s32 $0xFFFFC000  }
0x45: {  	[tilespmem:s7], [sflag:$0x2] =	stream.indirect.gather [hbm4b:s3+s9], $0x80, s28, s9, $0xb8;
	[tilespmem:$0x8800] =	vst v63  }
0x46: {  	s0 =	rddreg [dreg:$0x8]  }
0x47: {  	[hbm4b:s0+s2] =	stream.linear.scatter [tilespmem:s10], [sflag:$0x3], $0x4000, $0x38;
	[tilespmem:$0x8800] =	vst v63  }
0x48: {  	_ =	swait.ge [sflag:s4], $0x4000  }
0x49: {  	[sflag:s4] =	ssyncset.done $0x0  }
0x4a: {  	[sflag:s4] =	ssyncadd.s32 $0xFFFFC000  }
0x4b: {  	_ =	swait.ge [sflag:s8], $0x4000  }
0x4c: {  	[sflag:s8] =	ssyncset.done $0x0  }
0x4d: {  	[sflag:s8] =	ssyncadd.s32 $0xFFFFC000  }
0x4e: {  	[tilespmem:s10], [sflag:$0x1] =	stream.indirect.gather [hbm4b:s3+s9], $0x80, s26, s9, $0xb8;
	[tilespmem:$0x8800] =	vst v63  }
0x4f: {  	s0 =	rddreg [dreg:$0x9]  }
0x50: {  	[hbm4b:s0+s2] =	stream.linear.scatter [tilespmem:s7], [sflag:$0x3], $0x4000, $0x38;
	[tilespmem:$0x8800] =	vst v63  }
0x51: {  	_ =	swait.ge [sflag:s4], $0x4000  }
0x52: {  	[sflag:s4] =	ssyncset.done $0x0  }
0x53: {  	[sflag:s4] =	ssyncadd.s32 $0xFFFFC000  }
0x54: {  	_ =	swait.ge [sflag:s12], $0x4000  }
0x55: {  	[sflag:s12] =	ssyncset.done $0x0  }
0x56: {  	[sflag:s12] =	ssyncadd.s32 $0xFFFFC000  }
0x57: {  	[tilespmem:s7], [sflag:$0x2] =	stream.indirect.gather [hbm4b:s3+s9], $0x80, s25, s9, $0xb8;
	[tilespmem:$0x8800] =	vst v63  }
0x58: {  	s0 =	rddreg [dreg:$0xa]  }
0x59: {  	[hbm4b:s0+s2] =	stream.linear.scatter [tilespmem:s10], [sflag:$0x3], $0x4000, $0x38;
	[tilespmem:$0x8800] =	vst v63  }
0x5a: {  	_ =	swait.ge [sflag:s4], $0x4000  }
0x5b: {  	[sflag:s4] =	ssyncset.done $0x0  }
0x5c: {  	[sflag:s4] =	ssyncadd.s32 $0xFFFFC000  }
0x5d: {  	_ =	swait.ge [sflag:s8], $0x4000  }
0x5e: {  	[sflag:s8] =	ssyncset.done $0x0  }
0x5f: {  	[sflag:s8] =	ssyncadd.s32 $0xFFFFC000  }
0x60: {  	[tilespmem:s10], [sflag:$0x1] =	stream.indirect.gather [hbm4b:s3+s9], $0x80, s24, s9, $0xb8;
	[tilespmem:$0x8800] =	vst v63  }
0x61: {  	s0 =	rddreg [dreg:$0xb]  }
0x62: {  	[hbm4b:s0+s2] =	stream.linear.scatter [tilespmem:s7], [sflag:$0x3], $0x4000, $0x38;
	[tilespmem:$0x8800] =	vst v63  }
0x63: {  	_ =	swait.ge [sflag:s4], $0x4000  }
0x64: {  	[sflag:s4] =	ssyncset.done $0x0  }
0x65: {  	[sflag:s4] =	ssyncadd.s32 $0xFFFFC000  }
0x66: {  	_ =	swait.ge [sflag:s12], $0x4000  }
0x67: {  	[sflag:s12] =	ssyncset.done $0x0  }
0x68: {  	[sflag:s12] =	ssyncadd.s32 $0xFFFFC000  }
0x69: {  	[tilespmem:s7], [sflag:$0x2] =	stream.indirect.gather [hbm4b:s3+s9], $0x80, s23, s9, $0xb8;
	[tilespmem:$0x8800] =	vst v63  }
0x6a: {  	s0 =	rddreg [dreg:$0xc]  }
0x6b: {  	[hbm4b:s0+s2] =	stream.linear.scatter [tilespmem:s10], [sflag:$0x3], $0x4000, $0x38;
	[tilespmem:$0x8800] =	vst v63  }
0x6c: {  	_ =	swait.ge [sflag:s4], $0x4000  }
0x6d: {  	[sflag:s4] =	ssyncset.done $0x0  }
0x6e: {  	[sflag:s4] =	ssyncadd.s32 $0xFFFFC000  }
0x6f: {  	_ =	swait.ge [sflag:s8], $0x4000  }
0x70: {  	[sflag:s8] =	ssyncset.done $0x0  }
0x71: {  	[sflag:s8] =	ssyncadd.s32 $0xFFFFC000  }
0x72: {  	[tilespmem:s10], [sflag:$0x1] =	stream.indirect.gather [hbm4b:s3+s9], $0x80, s22, s9, $0xb8;
	[tilespmem:$0x8800] =	vst v63  }
0x73: {  	_ = 	snop  }
0x74: {  	[hbm4b:s18+s2] =	stream.linear.scatter [tilespmem:s7], [sflag:$0x3], $0x4000, $0x38;
	[tilespmem:$0x8800] =	vst v63  }
0x75: {  	_ =	swait.ge [sflag:s4], $0x4000  }
0x76: {  	[sflag:s4] =	ssyncset.done $0x0  }
0x77: {  	[sflag:s4] =	ssyncadd.s32 $0xFFFFC000  }
0x78: {  	_ =	swait.ge [sflag:s12], $0x4000  }
0x79: {  	[sflag:s12] =	ssyncset.done $0x0  }
0x7a: {  	[sflag:s12] =	ssyncadd.s32 $0xFFFFC000  }
0x7b: {  	[tilespmem:s7], [sflag:$0x2] =	stream.indirect.gather [hbm4b:s3+s9], $0x80, s21, s9, $0xb8;
	[tilespmem:$0x8800] =	vst v63  }
0x7c: {  	_ = 	snop  }
0x7d: {  	[hbm4b:s16+s2] =	stream.linear.scatter [tilespmem:s10], [sflag:$0x3], $0x4000, $0x38;
	[tilespmem:$0x8800] =	vst v63  }
0x7e: {  	_ =	swait.ge [sflag:s4], $0x4000  }
0x7f: {  	[sflag:s4] =	ssyncset.done $0x0  }
0x80: {  	[sflag:s4] =	ssyncadd.s32 $0xFFFFC000  }
0x81: {  	_ =	swait.ge [sflag:s8], $0x4000  }
0x82: {  	[sflag:s8] =	ssyncset.done $0x0  }
0x83: {  	[sflag:s8] =	ssyncadd.s32 $0xFFFFC000  }
0x84: {  	[tilespmem:s10], [sflag:$0x1] =	stream.indirect.gather [hbm4b:s3+s9], $0x80, s20, s9, $0xb8;
	[tilespmem:$0x8800] =	vst v63  }
0x85: {  	_ = 	snop  }
0x86: {  	[hbm4b:s14+s2] =	stream.linear.scatter [tilespmem:s7], [sflag:$0x3], $0x4000, $0x38;
	[tilespmem:$0x8800] =	vst v63  }
0x87: {  	_ =	swait.ge [sflag:s4], $0x4000  }
0x88: {  	[sflag:s4] =	ssyncset.done $0x0  }
0x89: {  	[sflag:s4] =	ssyncadd.s32 $0xFFFFC000  }
0x8a: {  	_ =	swait.ge [sflag:s12], $0x4000  }
0x8b: {  	[sflag:s12] =	ssyncset.done $0x0  }
0x8c: {  	[sflag:s12] =	ssyncadd.s32 $0xFFFFC000  }
0x8d: {  	[tilespmem:s7], [sflag:$0x2] =	stream.indirect.gather [hbm4b:s3+s9], $0x80, s19, s9, $0xb8;
	[tilespmem:$0x8800] =	vst v63  }
0x8e: {  	_ = 	snop  }
0x8f: {  	[hbm4b:s13+s2] =	stream.linear.scatter [tilespmem:s10], [sflag:$0x3], $0x4000, $0x38;
	[tilespmem:$0x8800] =	vst v63  }
0x90: {  	_ =	swait.ge [sflag:s4], $0x4000  }
0x91: {  	[sflag:s4] =	ssyncset.done $0x0  }
0x92: {  	[sflag:s4] =	ssyncadd.s32 $0xFFFFC000  }
0x93: {  	_ =	swait.ge [sflag:s8], $0x4000  }
0x94: {  	[sflag:s8] =	ssyncset.done $0x0  }
0x95: {  	[sflag:s8] =	ssyncadd.s32 $0xFFFFC000  }
0x96: {  	[tilespmem:s10], [sflag:$0x1] =	stream.indirect.gather [hbm4b:s3+s9], $0x80, s17, s9, $0xb8;
	[tilespmem:$0x8800] =	vst v63  }
0x97: {  	_ = 	snop  }
0x98: {  	[hbm4b:s11+s2] =	stream.linear.scatter [tilespmem:s7], [sflag:$0x3], $0x4000, $0x38;
	[tilespmem:$0x8800] =	vst v63  }
0x99: {  	_ =	swait.ge [sflag:s4], $0x4000  }
0x9a: {  	[sflag:s4] =	ssyncset.done $0x0  }
0x9b: {  	[sflag:s4] =	ssyncadd.s32 $0xFFFFC000  }
0x9c: {  	_ =	swait.ge [sflag:s12], $0x4000  }
0x9d: {  	[sflag:s12] =	ssyncset.done $0x0  }
0x9e: {  	[sflag:s12] =	ssyncadd.s32 $0xFFFFC000  }
0x9f: {  	[tilespmem:s7], [sflag:$0x2] =	stream.indirect.gather [hbm4b:s3+s9], $0x80, s15, s9, $0xb8;
	[tilespmem:$0x8800] =	vst v63  }
0xa0: {  	_ = 	snop  }
0xa1: {  	[hbm4b:s6+s2] =	stream.linear.scatter [tilespmem:s10], [sflag:$0x3], $0x4000, $0x38;
	[tilespmem:$0x8800] =	vst v63  }
0xa2: {  	_ =	swait.ge [sflag:s4], $0x4000  }
0xa3: {  	[sflag:s4] =	ssyncset.done $0x0  }
0xa4: {  	[sflag:s4] =	ssyncadd.s32 $0xFFFFC000  }
0xa5: {  	p1 =	sne.s32 s1, $0x1;
	_ =	swait.ge [sflag:s8], $0x4000  }
.Ltmp1:
0xa6: {  	[sflag:s8] =	ssyncset.done $0x0;
	(pc) =	sbr.rel @!p1 .LBB2_3-.Ltmp1, $4  }
0xa7: {  	[sflag:s8] =	ssyncadd.s32 $0xFFFFC000  }
0xa8: {  	[hbm4b:s5+s2] =	stream.linear.scatter [tilespmem:s7], [sflag:$0x3], $0x4000, $0x38;
	[tilespmem:$0x8800] =	vst v63  }
0xa9: {  	s1 =	sadd.s32 $0xFFFFFFFF, s1;
	_ =	swait.ge [sflag:s4], $0x4000  }
0xaa: {  	p0 =	por $0x1, $0x1;
	s0 =	rddreg [dreg:$0x3];
	[sflag:s4] =	ssyncset.done $0x0  }
.LBB2_2:
0xab: {  	[sflag:s4] =	ssyncadd.s32 $0xFFFFC000  }
0xac: {  	[tilespmem:s2], [sflag:$0x3] =	stream.linear.gather [hbm4b:s0+s2], $0x800, $0x38;
	[tilespmem:$0x8800] =	vst v63  }
0xad: {  	_ =	swait.ge [sflag:s4], $0x800  }
0xae: {  	[sflag:s4] =	ssyncset.done $0x0  }
0xaf: {  	[sflag:s4] =	ssyncadd.s32 $0xFFFFF800  }
0xb0: {  	[tilespmem:s10], [sflag:$0x1] =	stream.indirect.gather [hbm4b:s3+s9], $0x80, s2, s9, $0xb8;
	[tilespmem:$0x8800] =	vst v63  }
0xb1: {  	_ =	swait.ge [sflag:s12], $0x4000  }
0xb2: {  	[sflag:s12] =	ssyncset.done $0x0  }
0xb3: {  	[sflag:s12] =	ssyncadd.s32 $0xFFFFC000  }
0xb4: {  	[tilespmem:s7], [sflag:$0x2] =	stream.indirect.gather [hbm4b:s3+s9], $0x80, s9, s9, $0xb8;
	[tilespmem:$0x8800] =	vst v63  }
0xb5: {  	s0 =	rddreg [dreg:$0x4]  }
0xb6: {  	[hbm4b:s0+s2] =	stream.linear.scatter [tilespmem:s10], [sflag:$0x3], $0x4000, $0x38;
	[tilespmem:$0x8800] =	vst v63  }
0xb7: {  	_ =	swait.ge [sflag:s4], $0x4000  }
0xb8: {  	[sflag:s4] =	ssyncset.done $0x0  }
0xb9: {  	[sflag:s4] =	ssyncadd.s32 $0xFFFFC000  }
0xba: {  	_ =	swait.ge [sflag:s8], $0x4000  }
0xbb: {  	[sflag:s8] =	ssyncset.done $0x0  }
0xbc: {  	[sflag:s8] =	ssyncadd.s32 $0xFFFFC000  }
0xbd: {  	[tilespmem:s10], [sflag:$0x1] =	stream.indirect.gather [hbm4b:s3+s9], $0x80, s31, s9, $0xb8;
	[tilespmem:$0x8800] =	vst v63  }
0xbe: {  	s0 =	rddreg [dreg:$0x5]  }
0xbf: {  	[hbm4b:s0+s2] =	stream.linear.scatter [tilespmem:s7], [sflag:$0x3], $0x4000, $0x38;
	[tilespmem:$0x8800] =	vst v63  }
0xc0: {  	_ =	swait.ge [sflag:s4], $0x4000  }
0xc1: {  	[sflag:s4] =	ssyncset.done $0x0  }
0xc2: {  	[sflag:s4] =	ssyncadd.s32 $0xFFFFC000  }
0xc3: {  	_ =	swait.ge [sflag:s12], $0x4000  }
0xc4: {  	[sflag:s12] =	ssyncset.done $0x0  }
0xc5: {  	[sflag:s12] =	ssyncadd.s32 $0xFFFFC000  }
0xc6: {  	[tilespmem:s7], [sflag:$0x2] =	stream.indirect.gather [hbm4b:s3+s9], $0x80, s30, s9, $0xb8;
	[tilespmem:$0x8800] =	vst v63  }
0xc7: {  	s0 =	rddreg [dreg:$0x6]  }
0xc8: {  	[hbm4b:s0+s2] =	stream.linear.scatter [tilespmem:s10], [sflag:$0x3], $0x4000, $0x38;
	[tilespmem:$0x8800] =	vst v63  }
0xc9: {  	_ =	swait.ge [sflag:s4], $0x4000  }
0xca: {  	[sflag:s4] =	ssyncset.done $0x0  }
0xcb: {  	[sflag:s4] =	ssyncadd.s32 $0xFFFFC000  }
0xcc: {  	_ =	swait.ge [sflag:s8], $0x4000  }
0xcd: {  	[sflag:s8] =	ssyncset.done $0x0  }
0xce: {  	[sflag:s8] =	ssyncadd.s32 $0xFFFFC000  }
0xcf: {  	[tilespmem:s10], [sflag:$0x1] =	stream.indirect.gather [hbm4b:s3+s9], $0x80, s29, s9, $0xb8;
	[tilespmem:$0x8800] =	vst v63  }
0xd0: {  	s0 =	rddreg [dreg:$0x7]  }
0xd1: {  	[hbm4b:s0+s2] =	stream.linear.scatter [tilespmem:s7], [sflag:$0x3], $0x4000, $0x38;
	[tilespmem:$0x8800] =	vst v63  }
0xd2: {  	_ =	swait.ge [sflag:s4], $0x4000  }
0xd3: {  	[sflag:s4] =	ssyncset.done $0x0  }
0xd4: {  	[sflag:s4] =	ssyncadd.s32 $0xFFFFC000  }
0xd5: {  	_ =	swait.ge [sflag:s12], $0x4000  }
0xd6: {  	[sflag:s12] =	ssyncset.done $0x0  }
0xd7: {  	[sflag:s12] =	ssyncadd.s32 $0xFFFFC000  }
0xd8: {  	[tilespmem:s7], [sflag:$0x2] =	stream.indirect.gather [hbm4b:s3+s9], $0x80, s28, s9, $0xb8;
	[tilespmem:$0x8800] =	vst v63  }
0xd9: {  	s0 =	rddreg [dreg:$0x8]  }
0xda: {  	[hbm4b:s0+s2] =	stream.linear.scatter [tilespmem:s10], [sflag:$0x3], $0x4000, $0x38;
	[tilespmem:$0x8800] =	vst v63  }
0xdb: {  	_ =	swait.ge [sflag:s4], $0x4000  }
0xdc: {  	[sflag:s4] =	ssyncset.done $0x0  }
0xdd: {  	[sflag:s4] =	ssyncadd.s32 $0xFFFFC000  }
0xde: {  	_ =	swait.ge [sflag:s8], $0x4000  }
0xdf: {  	[sflag:s8] =	ssyncset.done $0x0  }
0xe0: {  	[sflag:s8] =	ssyncadd.s32 $0xFFFFC000  }
0xe1: {  	[tilespmem:s10], [sflag:$0x1] =	stream.indirect.gather [hbm4b:s3+s9], $0x80, s26, s9, $0xb8;
	[tilespmem:$0x8800] =	vst v63  }
0xe2: {  	s0 =	rddreg [dreg:$0x9]  }
0xe3: {  	[hbm4b:s0+s2] =	stream.linear.scatter [tilespmem:s7], [sflag:$0x3], $0x4000, $0x38;
	[tilespmem:$0x8800] =	vst v63  }
0xe4: {  	_ =	swait.ge [sflag:s4], $0x4000  }
0xe5: {  	[sflag:s4] =	ssyncset.done $0x0  }
0xe6: {  	[sflag:s4] =	ssyncadd.s32 $0xFFFFC000  }
0xe7: {  	_ =	swait.ge [sflag:s12], $0x4000  }
0xe8: {  	[sflag:s12] =	ssyncset.done $0x0  }
0xe9: {  	[sflag:s12] =	ssyncadd.s32 $0xFFFFC000  }
0xea: {  	[tilespmem:s7], [sflag:$0x2] =	stream.indirect.gather [hbm4b:s3+s9], $0x80, s25, s9, $0xb8;
	[tilespmem:$0x8800] =	vst v63  }
0xeb: {  	s0 =	rddreg [dreg:$0xa]  }
0xec: {  	[hbm4b:s0+s2] =	stream.linear.scatter [tilespmem:s10], [sflag:$0x3], $0x4000, $0x38;
	[tilespmem:$0x8800] =	vst v63  }
0xed: {  	_ =	swait.ge [sflag:s4], $0x4000  }
0xee: {  	[sflag:s4] =	ssyncset.done $0x0  }
0xef: {  	[sflag:s4] =	ssyncadd.s32 $0xFFFFC000  }
0xf0: {  	_ =	swait.ge [sflag:s8], $0x4000  }
0xf1: {  	[sflag:s8] =	ssyncset.done $0x0  }
0xf2: {  	[sflag:s8] =	ssyncadd.s32 $0xFFFFC000  }
0xf3: {  	[tilespmem:s10], [sflag:$0x1] =	stream.indirect.gather [hbm4b:s3+s9], $0x80, s24, s9, $0xb8;
	[tilespmem:$0x8800] =	vst v63  }
0xf4: {  	s0 =	rddreg [dreg:$0xb]  }
0xf5: {  	[hbm4b:s0+s2] =	stream.linear.scatter [tilespmem:s7], [sflag:$0x3], $0x4000, $0x38;
	[tilespmem:$0x8800] =	vst v63  }
0xf6: {  	_ =	swait.ge [sflag:s4], $0x4000  }
0xf7: {  	[sflag:s4] =	ssyncset.done $0x0  }
0xf8: {  	[sflag:s4] =	ssyncadd.s32 $0xFFFFC000  }
0xf9: {  	_ =	swait.ge [sflag:s12], $0x4000  }
0xfa: {  	[sflag:s12] =	ssyncset.done $0x0  }
0xfb: {  	[sflag:s12] =	ssyncadd.s32 $0xFFFFC000  }
0xfc: {  	[tilespmem:s7], [sflag:$0x2] =	stream.indirect.gather [hbm4b:s3+s9], $0x80, s23, s9, $0xb8;
	[tilespmem:$0x8800] =	vst v63  }
0xfd: {  	s0 =	rddreg [dreg:$0xc]  }
0xfe: {  	[hbm4b:s0+s2] =	stream.linear.scatter [tilespmem:s10], [sflag:$0x3], $0x4000, $0x38;
	[tilespmem:$0x8800] =	vst v63  }
0xff: {  	_ =	swait.ge [sflag:s4], $0x4000  }
0x100: {  	[sflag:s4] =	ssyncset.done $0x0  }
0x101: {  	[sflag:s4] =	ssyncadd.s32 $0xFFFFC000  }
0x102: {  	_ =	swait.ge [sflag:s8], $0x4000  }
0x103: {  	[sflag:s8] =	ssyncset.done $0x0  }
0x104: {  	[sflag:s8] =	ssyncadd.s32 $0xFFFFC000  }
0x105: {  	[tilespmem:s10], [sflag:$0x1] =	stream.indirect.gather [hbm4b:s3+s9], $0x80, s22, s9, $0xb8;
	[tilespmem:$0x8800] =	vst v63  }
0x106: {  	_ = 	snop  }
0x107: {  	[hbm4b:s18+s2] =	stream.linear.scatter [tilespmem:s7], [sflag:$0x3], $0x4000, $0x38;
	[tilespmem:$0x8800] =	vst v63  }
0x108: {  	_ =	swait.ge [sflag:s4], $0x4000  }
0x109: {  	[sflag:s4] =	ssyncset.done $0x0  }
0x10a: {  	[sflag:s4] =	ssyncadd.s32 $0xFFFFC000  }
0x10b: {  	_ =	swait.ge [sflag:s12], $0x4000  }
0x10c: {  	[sflag:s12] =	ssyncset.done $0x0  }
0x10d: {  	[sflag:s12] =	ssyncadd.s32 $0xFFFFC000  }
0x10e: {  	[tilespmem:s7], [sflag:$0x2] =	stream.indirect.gather [hbm4b:s3+s9], $0x80, s21, s9, $0xb8;
	[tilespmem:$0x8800] =	vst v63  }
0x10f: {  	_ = 	snop  }
0x110: {  	[hbm4b:s16+s2] =	stream.linear.scatter [tilespmem:s10], [sflag:$0x3], $0x4000, $0x38;
	[tilespmem:$0x8800] =	vst v63  }
0x111: {  	_ =	swait.ge [sflag:s4], $0x4000  }
0x112: {  	[sflag:s4] =	ssyncset.done $0x0  }
0x113: {  	[sflag:s4] =	ssyncadd.s32 $0xFFFFC000  }
0x114: {  	_ =	swait.ge [sflag:s8], $0x4000  }
0x115: {  	[sflag:s8] =	ssyncset.done $0x0  }
0x116: {  	[sflag:s8] =	ssyncadd.s32 $0xFFFFC000  }
0x117: {  	[tilespmem:s10], [sflag:$0x1] =	stream.indirect.gather [hbm4b:s3+s9], $0x80, s20, s9, $0xb8;
	[tilespmem:$0x8800] =	vst v63  }
0x118: {  	_ = 	snop  }
0x119: {  	[hbm4b:s14+s2] =	stream.linear.scatter [tilespmem:s7], [sflag:$0x3], $0x4000, $0x38;
	[tilespmem:$0x8800] =	vst v63  }
0x11a: {  	_ =	swait.ge [sflag:s4], $0x4000  }
0x11b: {  	[sflag:s4] =	ssyncset.done $0x0  }
0x11c: {  	[sflag:s4] =	ssyncadd.s32 $0xFFFFC000  }
0x11d: {  	_ =	swait.ge [sflag:s12], $0x4000  }
0x11e: {  	[sflag:s12] =	ssyncset.done $0x0  }
0x11f: {  	[sflag:s12] =	ssyncadd.s32 $0xFFFFC000  }
0x120: {  	[tilespmem:s7], [sflag:$0x2] =	stream.indirect.gather [hbm4b:s3+s9], $0x80, s19, s9, $0xb8;
	[tilespmem:$0x8800] =	vst v63  }
0x121: {  	_ = 	snop  }
0x122: {  	[hbm4b:s13+s2] =	stream.linear.scatter [tilespmem:s10], [sflag:$0x3], $0x4000, $0x38;
	[tilespmem:$0x8800] =	vst v63  }
0x123: {  	_ =	swait.ge [sflag:s4], $0x4000  }
0x124: {  	[sflag:s4] =	ssyncset.done $0x0  }
0x125: {  	[sflag:s4] =	ssyncadd.s32 $0xFFFFC000  }
0x126: {  	_ =	swait.ge [sflag:s8], $0x4000  }
0x127: {  	[sflag:s8] =	ssyncset.done $0x0  }
0x128: {  	[sflag:s8] =	ssyncadd.s32 $0xFFFFC000  }
0x129: {  	[tilespmem:s10], [sflag:$0x1] =	stream.indirect.gather [hbm4b:s3+s9], $0x80, s17, s9, $0xb8;
	[tilespmem:$0x8800] =	vst v63  }
0x12a: {  	_ = 	snop  }
0x12b: {  	[hbm4b:s11+s2] =	stream.linear.scatter [tilespmem:s7], [sflag:$0x3], $0x4000, $0x38;
	[tilespmem:$0x8800] =	vst v63  }
0x12c: {  	_ =	swait.ge [sflag:s4], $0x4000  }
0x12d: {  	[sflag:s4] =	ssyncset.done $0x0  }
0x12e: {  	[sflag:s4] =	ssyncadd.s32 $0xFFFFC000  }
0x12f: {  	_ =	swait.ge [sflag:s12], $0x4000  }
0x130: {  	[sflag:s12] =	ssyncset.done $0x0  }
0x131: {  	[sflag:s12] =	ssyncadd.s32 $0xFFFFC000  }
0x132: {  	[tilespmem:s7], [sflag:$0x2] =	stream.indirect.gather [hbm4b:s3+s9], $0x80, s15, s9, $0xb8;
	[tilespmem:$0x8800] =	vst v63  }
0x133: {  	_ = 	snop  }
0x134: {  	[hbm4b:s6+s2] =	stream.linear.scatter [tilespmem:s10], [sflag:$0x3], $0x4000, $0x38;
	[tilespmem:$0x8800] =	vst v63  }
0x135: {  	_ =	swait.ge [sflag:s4], $0x4000  }
0x136: {  	[sflag:s4] =	ssyncset.done $0x0  }
0x137: {  	[sflag:s4] =	ssyncadd.s32 $0xFFFFC000  }
0x138: {  	p1 =	sne.s32 s1, $0x1;
	_ =	swait.ge [sflag:s8], $0x4000  }
.Ltmp2:
0x139: {  	[sflag:s8] =	ssyncset.done $0x0;
	(pc) =	sbr.rel @p1 .LBB2_2-.Ltmp2, $4  }
0x13a: {  	[sflag:s8] =	ssyncadd.s32 $0xFFFFC000  }
0x13b: {  	[hbm4b:s5+s2] =	stream.linear.scatter [tilespmem:s7], [sflag:$0x3], $0x4000, $0x38;
	[tilespmem:$0x8800] =	vst v63  }
0x13c: {  	_ =	swait.ge [sflag:s4], $0x4000  }
0x13d: {  	s1 =	sadd.s32 $0xFFFFFFFF, s1;
	s0 =	rddreg [dreg:$0x3];
	[sflag:s4] =	ssyncset.done $0x0  }
.LBB2_3:
0x13e: {  	[sflag:s4] =	ssyncadd.s32 @p0 $0xFFFFC000  }
0x13f: {  	[tilespmem:s2], [sflag:$0x3] =	stream.linear.gather [hbm4b:s0+s2], $0x800, $0x38;
	[tilespmem:$0x8800] =	vst v63  }
0x140: {  	_ =	swait.ge [sflag:s4], $0x800  }
0x141: {  	[sflag:s4] =	ssyncset.done $0x0  }
0x142: {  	[sflag:s4] =	ssyncadd.s32 $0xFFFFF800  }
0x143: {  	[tilespmem:s10], [sflag:$0x1] =	stream.indirect.gather [hbm4b:s3+s9], $0x80, s2, s9, $0xb8;
	[tilespmem:$0x8800] =	vst v63  }
0x144: {  	_ =	swait.ge [sflag:s12], $0x4000  }
0x145: {  	[sflag:s12] =	ssyncset.done $0x0  }
0x146: {  	[sflag:s12] =	ssyncadd.s32 $0xFFFFC000  }
0x147: {  	[tilespmem:s7], [sflag:$0x2] =	stream.indirect.gather [hbm4b:s3+s9], $0x80, s9, s9, $0xb8;
	[tilespmem:$0x8800] =	vst v63  }
0x148: {  	s1 =	rddreg [dreg:$0x4]  }
0x149: {  	[hbm4b:s1+s2] =	stream.linear.scatter [tilespmem:s10], [sflag:$0x3], $0x4000, $0x38;
	[tilespmem:$0x8800] =	vst v63  }
0x14a: {  	_ =	swait.ge [sflag:s4], $0x4000  }
0x14b: {  	[sflag:s4] =	ssyncset.done $0x0  }
0x14c: {  	[sflag:s4] =	ssyncadd.s32 $0xFFFFC000  }
0x14d: {  	_ =	swait.ge [sflag:s8], $0x4000  }
0x14e: {  	[sflag:s8] =	ssyncset.done $0x0  }
0x14f: {  	[sflag:s8] =	ssyncadd.s32 $0xFFFFC000  }
0x150: {  	[tilespmem:s10], [sflag:$0x1] =	stream.indirect.gather [hbm4b:s3+s9], $0x80, s31, s9, $0xb8;
	[tilespmem:$0x8800] =	vst v63  }
0x151: {  	s1 =	rddreg [dreg:$0x5]  }
0x152: {  	[hbm4b:s1+s2] =	stream.linear.scatter [tilespmem:s7], [sflag:$0x3], $0x4000, $0x38;
	[tilespmem:$0x8800] =	vst v63  }
0x153: {  	_ =	swait.ge [sflag:s4], $0x4000  }
0x154: {  	[sflag:s4] =	ssyncset.done $0x0  }
0x155: {  	[sflag:s4] =	ssyncadd.s32 $0xFFFFC000  }
0x156: {  	_ =	swait.ge [sflag:s12], $0x4000  }
0x157: {  	[sflag:s12] =	ssyncset.done $0x0  }
0x158: {  	[sflag:s12] =	ssyncadd.s32 $0xFFFFC000  }
0x159: {  	[tilespmem:s7], [sflag:$0x2] =	stream.indirect.gather [hbm4b:s3+s9], $0x80, s30, s9, $0xb8;
	[tilespmem:$0x8800] =	vst v63  }
0x15a: {  	s1 =	rddreg [dreg:$0x6]  }
0x15b: {  	[hbm4b:s1+s2] =	stream.linear.scatter [tilespmem:s10], [sflag:$0x3], $0x4000, $0x38;
	[tilespmem:$0x8800] =	vst v63  }
0x15c: {  	_ =	swait.ge [sflag:s4], $0x4000  }
0x15d: {  	[sflag:s4] =	ssyncset.done $0x0  }
0x15e: {  	[sflag:s4] =	ssyncadd.s32 $0xFFFFC000  }
0x15f: {  	_ =	swait.ge [sflag:s8], $0x4000  }
0x160: {  	[sflag:s8] =	ssyncset.done $0x0  }
0x161: {  	[sflag:s8] =	ssyncadd.s32 $0xFFFFC000  }
0x162: {  	[tilespmem:s10], [sflag:$0x1] =	stream.indirect.gather [hbm4b:s3+s9], $0x80, s29, s9, $0xb8;
	[tilespmem:$0x8800] =	vst v63  }
0x163: {  	s30 =	rddreg [dreg:$0x7]  }
0x164: {  	[hbm4b:s30+s2] =	stream.linear.scatter [tilespmem:s7], [sflag:$0x3], $0x4000, $0x38;
	[tilespmem:$0x8800] =	vst v63  }
0x165: {  	_ =	swait.ge [sflag:s4], $0x4000  }
0x166: {  	[sflag:s4] =	ssyncset.done $0x0  }
0x167: {  	[sflag:s4] =	ssyncadd.s32 $0xFFFFC000  }
0x168: {  	_ =	swait.ge [sflag:s12], $0x4000  }
0x169: {  	[sflag:s12] =	ssyncset.done $0x0  }
0x16a: {  	[sflag:s12] =	ssyncadd.s32 $0xFFFFC000  }
0x16b: {  	[tilespmem:s7], [sflag:$0x2] =	stream.indirect.gather [hbm4b:s3+s9], $0x80, s28, s9, $0xb8;
	[tilespmem:$0x8800] =	vst v63  }
0x16c: {  	s31 =	rddreg [dreg:$0x8]  }
0x16d: {  	[hbm4b:s31+s2] =	stream.linear.scatter [tilespmem:s10], [sflag:$0x3], $0x4000, $0x38;
	[tilespmem:$0x8800] =	vst v63  }
0x16e: {  	_ =	swait.ge [sflag:s4], $0x4000  }
0x16f: {  	[sflag:s4] =	ssyncset.done $0x0  }
0x170: {  	[sflag:s4] =	ssyncadd.s32 $0xFFFFC000  }
0x171: {  	_ =	swait.ge [sflag:s8], $0x4000  }
0x172: {  	[sflag:s8] =	ssyncset.done $0x0  }
0x173: {  	[sflag:s8] =	ssyncadd.s32 $0xFFFFC000  }
0x174: {  	[tilespmem:s10], [sflag:$0x1] =	stream.indirect.gather [hbm4b:s3+s9], $0x80, s26, s9, $0xb8;
	[tilespmem:$0x8800] =	vst v63  }
0x175: {  	s1 =	rddreg [dreg:$0x9]  }
0x176: {  	[hbm4b:s1+s2] =	stream.linear.scatter [tilespmem:s7], [sflag:$0x3], $0x4000, $0x38;
	[tilespmem:$0x8800] =	vst v63  }
0x177: {  	_ =	swait.ge [sflag:s4], $0x4000  }
0x178: {  	[sflag:s4] =	ssyncset.done $0x0  }
0x179: {  	[sflag:s4] =	ssyncadd.s32 $0xFFFFC000  }
0x17a: {  	_ =	swait.ge [sflag:s12], $0x4000  }
0x17b: {  	[sflag:s12] =	ssyncset.done $0x0  }
0x17c: {  	[sflag:s12] =	ssyncadd.s32 $0xFFFFC000  }
0x17d: {  	[tilespmem:s7], [sflag:$0x2] =	stream.indirect.gather [hbm4b:s3+s9], $0x80, s25, s9, $0xb8;
	[tilespmem:$0x8800] =	vst v63  }
0x17e: {  	s28 =	rddreg [dreg:$0xa]  }
0x17f: {  	[hbm4b:s28+s2] =	stream.linear.scatter [tilespmem:s10], [sflag:$0x3], $0x4000, $0x38;
	[tilespmem:$0x8800] =	vst v63  }
0x180: {  	_ =	swait.ge [sflag:s4], $0x4000  }
0x181: {  	[sflag:s4] =	ssyncset.done $0x0  }
0x182: {  	[sflag:s4] =	ssyncadd.s32 $0xFFFFC000  }
0x183: {  	_ =	swait.ge [sflag:s8], $0x4000  }
0x184: {  	[sflag:s8] =	ssyncset.done $0x0  }
0x185: {  	[sflag:s8] =	ssyncadd.s32 $0xFFFFC000  }
0x186: {  	[tilespmem:s10], [sflag:$0x1] =	stream.indirect.gather [hbm4b:s3+s9], $0x80, s24, s9, $0xb8;
	[tilespmem:$0x8800] =	vst v63  }
0x187: {  	s29 =	rddreg [dreg:$0xb]  }
0x188: {  	[hbm4b:s29+s2] =	stream.linear.scatter [tilespmem:s7], [sflag:$0x3], $0x4000, $0x38;
	[tilespmem:$0x8800] =	vst v63  }
0x189: {  	_ =	swait.ge [sflag:s4], $0x4000  }
0x18a: {  	[sflag:s4] =	ssyncset.done $0x0  }
0x18b: {  	[sflag:s4] =	ssyncadd.s32 $0xFFFFC000  }
0x18c: {  	_ =	swait.ge [sflag:s12], $0x4000  }
0x18d: {  	[sflag:s12] =	ssyncset.done $0x0  }
0x18e: {  	[sflag:s12] =	ssyncadd.s32 $0xFFFFC000  }
0x18f: {  	[tilespmem:s7], [sflag:$0x2] =	stream.indirect.gather [hbm4b:s3+s9], $0x80, s23, s9, $0xb8;
	[tilespmem:$0x8800] =	vst v63  }
0x190: {  	s30 =	rddreg [dreg:$0xc]  }
0x191: {  	[hbm4b:s30+s2] =	stream.linear.scatter [tilespmem:s10], [sflag:$0x3], $0x4000, $0x38;
	[tilespmem:$0x8800] =	vst v63  }
0x192: {  	_ =	swait.ge [sflag:s4], $0x4000  }
0x193: {  	[sflag:s4] =	ssyncset.done $0x0  }
0x194: {  	[sflag:s4] =	ssyncadd.s32 $0xFFFFC000  }
0x195: {  	_ =	swait.ge [sflag:s8], $0x4000  }
0x196: {  	[sflag:s8] =	ssyncset.done $0x0  }
0x197: {  	[sflag:s8] =	ssyncadd.s32 $0xFFFFC000  }
0x198: {  	[tilespmem:s10], [sflag:$0x1] =	stream.indirect.gather [hbm4b:s3+s9], $0x80, s22, s9, $0xb8;
	[tilespmem:$0x8800] =	vst v63  }
0x199: {  	_ = 	snop  }
0x19a: {  	[hbm4b:s18+s2] =	stream.linear.scatter [tilespmem:s7], [sflag:$0x3], $0x4000, $0x38;
	[tilespmem:$0x8800] =	vst v63  }
0x19b: {  	_ =	swait.ge [sflag:s4], $0x4000  }
0x19c: {  	[sflag:s4] =	ssyncset.done $0x0  }
0x19d: {  	[sflag:s4] =	ssyncadd.s32 $0xFFFFC000  }
0x19e: {  	_ =	swait.ge [sflag:s12], $0x4000  }
0x19f: {  	[sflag:s12] =	ssyncset.done $0x0  }
0x1a0: {  	[sflag:s12] =	ssyncadd.s32 $0xFFFFC000  }
0x1a1: {  	[tilespmem:s7], [sflag:$0x2] =	stream.indirect.gather [hbm4b:s3+s9], $0x80, s21, s9, $0xb8;
	[tilespmem:$0x8800] =	vst v63  }
0x1a2: {  	_ = 	snop  }
0x1a3: {  	[hbm4b:s16+s2] =	stream.linear.scatter [tilespmem:s10], [sflag:$0x3], $0x4000, $0x38;
	[tilespmem:$0x8800] =	vst v63  }
0x1a4: {  	_ =	swait.ge [sflag:s4], $0x4000  }
0x1a5: {  	[sflag:s4] =	ssyncset.done $0x0  }
0x1a6: {  	[sflag:s4] =	ssyncadd.s32 $0xFFFFC000  }
0x1a7: {  	_ =	swait.ge [sflag:s8], $0x4000  }
0x1a8: {  	[sflag:s8] =	ssyncset.done $0x0  }
0x1a9: {  	[sflag:s8] =	ssyncadd.s32 $0xFFFFC000  }
0x1aa: {  	[tilespmem:s10], [sflag:$0x1] =	stream.indirect.gather [hbm4b:s3+s9], $0x80, s20, s9, $0xb8;
	[tilespmem:$0x8800] =	vst v63  }
0x1ab: {  	_ = 	snop  }
0x1ac: {  	[hbm4b:s14+s2] =	stream.linear.scatter [tilespmem:s7], [sflag:$0x3], $0x4000, $0x38;
	[tilespmem:$0x8800] =	vst v63  }
0x1ad: {  	_ =	swait.ge [sflag:s4], $0x4000  }
0x1ae: {  	[sflag:s4] =	ssyncset.done $0x0  }
0x1af: {  	[sflag:s4] =	ssyncadd.s32 $0xFFFFC000  }
0x1b0: {  	_ =	swait.ge [sflag:s12], $0x4000  }
0x1b1: {  	[sflag:s12] =	ssyncset.done $0x0  }
0x1b2: {  	[sflag:s12] =	ssyncadd.s32 $0xFFFFC000  }
0x1b3: {  	[tilespmem:s7], [sflag:$0x2] =	stream.indirect.gather [hbm4b:s3+s9], $0x80, s19, s9, $0xb8;
	[tilespmem:$0x8800] =	vst v63  }
0x1b4: {  	_ = 	snop  }
0x1b5: {  	[hbm4b:s13+s2] =	stream.linear.scatter [tilespmem:s10], [sflag:$0x3], $0x4000, $0x38;
	[tilespmem:$0x8800] =	vst v63  }
0x1b6: {  	_ =	swait.ge [sflag:s4], $0x4000  }
0x1b7: {  	[sflag:s4] =	ssyncset.done $0x0  }
0x1b8: {  	[sflag:s4] =	ssyncadd.s32 $0xFFFFC000  }
0x1b9: {  	_ =	swait.ge [sflag:s8], $0x4000  }
0x1ba: {  	[sflag:s8] =	ssyncset.done $0x0  }
0x1bb: {  	[sflag:s8] =	ssyncadd.s32 $0xFFFFC000  }
0x1bc: {  	[tilespmem:s10], [sflag:$0x1] =	stream.indirect.gather [hbm4b:s3+s9], $0x80, s17, s9, $0xb8;
	[tilespmem:$0x8800] =	vst v63  }
0x1bd: {  	_ = 	snop  }
0x1be: {  	[hbm4b:s11+s2] =	stream.linear.scatter [tilespmem:s7], [sflag:$0x3], $0x4000, $0x38;
	[tilespmem:$0x8800] =	vst v63  }
0x1bf: {  	_ =	swait.ge [sflag:s4], $0x4000  }
0x1c0: {  	[sflag:s4] =	ssyncset.done $0x0  }
0x1c1: {  	[sflag:s4] =	ssyncadd.s32 $0xFFFFC000  }
0x1c2: {  	_ =	swait.ge [sflag:s12], $0x4000  }
0x1c3: {  	[sflag:s12] =	ssyncset.done $0x0  }
0x1c4: {  	[sflag:s12] =	ssyncadd.s32 $0xFFFFC000  }
0x1c5: {  	[tilespmem:s7], [sflag:$0x2] =	stream.indirect.gather [hbm4b:s3+s9], $0x80, s15, s9, $0xb8;
	[tilespmem:$0x8800] =	vst v63  }
0x1c6: {  	_ = 	snop  }
0x1c7: {  	[hbm4b:s6+s2] =	stream.linear.scatter [tilespmem:s10], [sflag:$0x3], $0x4000, $0x38;
	[tilespmem:$0x8800] =	vst v63  }
0x1c8: {  	_ =	swait.ge [sflag:s4], $0x4000  }
0x1c9: {  	[sflag:s4] =	ssyncset.done $0x0  }
0x1ca: {  	[sflag:s4] =	ssyncadd.s32 $0xFFFFC000  }
0x1cb: {  	_ =	swait.ge [sflag:s8], $0x4000  }
0x1cc: {  	[sflag:s8] =	ssyncset.done $0x0  }
0x1cd: {  	[sflag:s8] =	ssyncadd.s32 $0xFFFFC000  }
0x1ce: {  	[hbm4b:s5+s2] =	stream.linear.scatter [tilespmem:s7], [sflag:$0x3], $0x4000, $0x38;
	[tilespmem:$0x8800] =	vst v63  }
0x1cf: {  	_ =	swait.ge [sflag:s4], $0x4000  }
0x1d0: {  	[sflag:s4] =	ssyncset.done $0x0  }
0x1d1: {  	[sflag:s4] =	ssyncadd.s32 $0xFFFFC000  }
0x1d2: {  	_ =	sfence.sel $0x180000  }
0x1d3: {  	[bflag:$0x0] =	sbarrier.arrive $0xFFFF  }
0x1d4: {  	_ =	strace $0x90000047  }
0x1d5: {  	s31 =	stileid.u32;
	[bflag:$0x2] =	sbarrier.arrive $0xFFFF  }
0x1d6: {  	p0 =	sne.s32 s31, $0x0;
	s0 =	rddreg [dreg:$0x2]  }
0x1d7: {  	s0 =	sadd.s32 @!p0 $0x100000, s0  }
0x1d8: {  	[sflag:s0] =	ssyncadd.tile.s32 @!p0 $0x1;
	_ =	shalt  }
.Lfunc_end2:
_tile_overlayer_lowered:
.L_overlay_start_2:
0x1d9: {  	(tag) =	ssettag $0x2  }
0x1da: {  	s0 =	rddreg [dreg:$0x0];
	s2 =	stileid.u32  }
0x1db: {  	s1 =	rddreg [dreg:$0x1];
	p0 =	sne.s32 s2, $0x0  }
0x1dc: {  	s3 =	rddreg [dreg:$0x2];
	[bflag:$0x3] =	sbarrier.arrive $0xFFFF;
	s2 =	simm.s32 @!p0 $0x1C03  }
0x1dd: {  	[timem:s3], [sflag:s2] =	dma.local @!p0 [hbm:s0], s1  }
0x1de: {  	s0 =	simm.s32 @!p0 $0x3  }
0x1df: {  	_ =	swait.ge @!p0 [sflag:s0], s1  }
0x1e0: {  	s1 =	ssub.s32 @!p0 $0x0, s1;
	[sflag:s0] =	ssyncset.done @!p0 $0x0  }
0x1e1: {  	[sflag:s0] =	ssyncadd.s32 @!p0 s1  }
0x1e2: {  	[bflag:$0x3] =	sbarrier.arrive $0xFFFF  }
0x1e3: {  	_ =	shalt  }

</sc_bundles>
